<compile_context>
chip_gen: v7x
topology: tpu7x:2x2x1
jax: 0.10.2.dev20260603
libtpu: 0.0.44.dev20260713+nightly
codegen_flags: <defaults>
</compile_context>

<pallas_src>
import functools

import jax
import jax.numpy as jnp
from jax import lax
from jax.experimental import pallas as pl
from jax.experimental.pallas import tpu as pltpu
from jax.experimental.pallas import tpu_sc as plsc

_EPS = 1e-7
_LANES = 16


def _sc_scores(idx_flat, w_flat, V, NLEX):
    n = idx_flat.shape[0]
    info = plsc.get_sparse_core_info()
    nw = info.num_cores * info.num_subcores
    chunk = n // nw
    steps = chunk // _LANES
    mesh = plsc.VectorSubcoreMesh(core_axis_name="c", subcore_axis_name="s")

    @functools.partial(
        pl.kernel,
        mesh=mesh,
        out_type=jax.ShapeDtypeStruct((n,), jnp.float32),
        compiler_params=pltpu.CompilerParams(needs_layout_passes=False),
        scratch_types=[
            pltpu.VMEM((V * NLEX,), jnp.float32),
            pltpu.VMEM((V,), jnp.float32),
            pltpu.VMEM((chunk,), jnp.int32),
            pltpu.VMEM((chunk,), jnp.float32),
        ],
    )
    def k(idx_hbm, w_hbm, s_hbm, wfull_v, w_v, idx_v, s_v):
        wid = lax.axis_index("s") * info.num_cores + lax.axis_index("c")
        base = wid * chunk
        pltpu.sync_copy(w_hbm, wfull_v)
        pltpu.sync_copy(idx_hbm.at[pl.ds(base, chunk)], idx_v)
        for v in range(V // _LANES):
            rows = (lax.iota(jnp.int32, _LANES) + v * _LANES) * NLEX
            acc = jnp.zeros((_LANES,), jnp.float32)
            for j in range(NLEX):
                acc = acc + plsc.load_gather(wfull_v, [rows + j])
            w_v[pl.ds(v * _LANES, _LANES)] = acc

        def body(i, carry):
            off = i * _LANES
            idx16 = idx_v[pl.ds(off, _LANES)]
            s_v[pl.ds(off, _LANES)] = plsc.load_gather(w_v, [idx16])
            return carry

        lax.fori_loop(0, steps, body, 0)
        pltpu.sync_copy(s_v, s_hbm.at[pl.ds(base, chunk)])

    return k(idx_flat, w_flat)


def _tc_pool(s, x):
    B, L, D = x.shape
    bblk = 128

    def body(s_ref, x_ref, o_ref):
        e = jnp.exp(jnp.tanh(s_ref[...]))
        denom = jnp.sum(e, axis=1, keepdims=True) + _EPS
        acc = jnp.sum(x_ref[...] * e[:, :, None], axis=1)
        o_ref[...] = acc / denom

    return pl.pallas_call(
        body,
        grid=(B // bblk,),
        in_specs=[
            pl.BlockSpec((bblk, L), lambda i: (i, 0)),
            pl.BlockSpec((bblk, L, D), lambda i: (i, 0, 0)),
        ],
        out_specs=pl.BlockSpec((bblk, D), lambda i: (i, 0)),
        out_shape=jax.ShapeDtypeStruct((B, D), jnp.float32),
    )(s, x)


def kernel(lex_indices, x, W):
    B, L, D = x.shape
    V, NLEX = W.shape
    s = _sc_scores(lex_indices.reshape(-1), W.reshape(-1), V, NLEX)
    return _tc_pool(s.reshape(B, L), x)

# --- scband reference (transcript-rebuilt; emitter-appended) ---
"""Pipeline reference for scband-lba-25099788878209 (READ-ONLY COPY).

The authoritative reference and input builder live on the scoring server;
editing this copy changes nothing except your own understanding.
"""

import jax, jax.numpy as jnp
import numpy as np

B, L, D = 4096, 200, 64
V, NLEX = 512, 4
EPS = 1e-7  # K.epsilon()


def setup_inputs(seed: int = 0) -> dict:
    key = jax.random.key(seed)
    k1, k2, k3 = jax.random.split(key, 3)
    lex_indices = jax.random.randint(k1, (B, L), 0, V, dtype=jnp.int32)
    x = jax.random.normal(k2, (B, L, D), dtype=jnp.float32)
    # learned attention weight W, same shape as the lexicon array
    W = jax.random.normal(k3, (V, NLEX), dtype=jnp.float32) * 0.1
    return {"lex_indices": lex_indices, "x": x, "W": W}


def reference(lex_indices, x, W):
    # gather per-token lexicon score rows: (B, L, NLEX)
    lex_scores = jnp.take(W, lex_indices, axis=0)
    # sum lexicon channels -> (B, L)
    lex_scores = jnp.sum(lex_scores, axis=-1)
    # bounded positive attention logits
    lex_scores = jnp.exp(jnp.tanh(lex_scores))
    # normalize over the time dimension
    lex_scores = lex_scores / (jnp.sum(lex_scores, axis=1, keepdims=True) + EPS)
    # (B, L, 1)
    lex_scores = lex_scores[..., None]
    # weighted sum over steps -> (B, D)
    weighted_input = x * lex_scores
    return jnp.sum(weighted_input, axis=1)

if __name__ == "__main__":
    import jax
    _d = setup_inputs()
    print(jax.jit(kernel)(*tuple(_d.values())))

</pallas_src>

<mosaic_0001>
#map = affine_map<(d0, d1) -> (0)>
module attributes {stable_mosaic.version = 14 : i64} {
  func.func @k(%arg0: i32, %arg1: i32, %arg2: memref<819200xi32, #tpu.memory_space<hbm>>, %arg3: memref<2048xf32, #tpu.memory_space<hbm>>, %arg4: memref<819200xf32, #tpu.memory_space<hbm>>, %arg5: memref<2048xf32, #tpu.memory_space<vmem>>, %arg6: memref<512xf32, #tpu.memory_space<vmem>>, %arg7: memref<25600xi32, #tpu.memory_space<vmem>>, %arg8: memref<25600xf32, #tpu.memory_space<vmem>>) attributes {dimension_semantics = [#tpu.dimension_semantics<core_parallel>, #tpu.dimension_semantics<subcore_parallel>], iteration_bounds = array<i64: 2, 16>, scalar_prefetch = 0 : i64, scratch_operands = 4 : i64, tpu.core_type = #tpu.core_type<sc_vector_subcore>, window_params = [{transform_indices = #map}, {transform_indices = #map}, {transform_indices = #map}]} {
    %mul3A = arith.constant 2 : i32
    %mul3A_0 = arith.muli %arg1, %mul3A : i32
    %add3A = arith.addi %mul3A_0, %arg0 : i32
    %mul3A_1 = arith.constant 25600 : i32
    %mul3A_2 = arith.muli %add3A, %mul3A_1 : i32
    "tpu.region"() ({
      %run_scoped3A = tpu.sem_alloc : memref<!tpu.dma_semaphore, #tpu.memory_space<semaphore_mem>>
      tpu.enqueue_dma source(%arg3 : memref<2048xf32, #tpu.memory_space<hbm>>) target(%arg5 : memref<2048xf32, #tpu.memory_space<vmem>>) target_semaphore(%run_scoped3A : memref<!tpu.dma_semaphore, #tpu.memory_space<semaphore_mem>>)
      tpu.wait_dma2 semaphore(%run_scoped3A : memref<!tpu.dma_semaphore, #tpu.memory_space<semaphore_mem>>) src(%arg3 : memref<2048xf32, #tpu.memory_space<hbm>>) dst(%arg5 : memref<2048xf32, #tpu.memory_space<vmem>>)
      tpu.yield
    }) : () -> ()
    "tpu.region"() ({
      %run_scoped3A = tpu.sem_alloc : memref<!tpu.dma_semaphore, #tpu.memory_space<semaphore_mem>>
      %dma_start3A = tpu.memref_slice %arg2[%mul3A_2] : memref<819200xi32, #tpu.memory_space<hbm>> -> memref<25600xi32, #tpu.memory_space<hbm>>
      %dma_start3A_996 = tpu.memref_slice %arg2[%mul3A_2] : memref<819200xi32, #tpu.memory_space<hbm>> -> memref<25600xi32, #tpu.memory_space<hbm>>
      tpu.enqueue_dma source(%dma_start3A_996 : memref<25600xi32, #tpu.memory_space<hbm>>) target(%arg7 : memref<25600xi32, #tpu.memory_space<vmem>>) target_semaphore(%run_scoped3A : memref<!tpu.dma_semaphore, #tpu.memory_space<semaphore_mem>>)
      %dma_wait3A = tpu.memref_slice %arg2[%mul3A_2] : memref<819200xi32, #tpu.memory_space<hbm>> -> memref<25600xi32, #tpu.memory_space<hbm>>
      %dma_wait3A_997 = tpu.memref_slice %arg2[%mul3A_2] : memref<819200xi32, #tpu.memory_space<hbm>> -> memref<25600xi32, #tpu.memory_space<hbm>>
      tpu.wait_dma2 semaphore(%run_scoped3A : memref<!tpu.dma_semaphore, #tpu.memory_space<semaphore_mem>>) src(%dma_wait3A_997 : memref<25600xi32, #tpu.memory_space<hbm>>) dst(%arg7 : memref<25600xi32, #tpu.memory_space<vmem>>)
      tpu.yield
    }) : () -> ()
    %iota3A = tpu.iota {dimensions = array<i32: 0>} : vector<16xi32>
    %add3A_3 = arith.constant 0 : i32
    %add3A_4 = vector.broadcast %add3A_3 : i32 to vector<16xi32>
    %add3A_5 = arith.addi %iota3A, %add3A_4 : vector<16xi32>
    %mul3A_6 = arith.constant 4 : i32
    %mul3A_7 = vector.broadcast %mul3A_6 : i32 to vector<16xi32>
    %mul3A_8 = arith.muli %add3A_5, %mul3A_7 : vector<16xi32>
    %broadcast_in_dim3A = arith.constant 0.000000e+00 : f32
    %broadcast_in_dim3A_9 = vector.broadcast %broadcast_in_dim3A : f32 to vector<16xf32>
    %add3A_10 = arith.constant 0 : i32
    %add3A_11 = vector.broadcast %add3A_10 : i32 to vector<16xi32>
    %add3A_12 = arith.addi %mul3A_8, %add3A_11 : vector<16xi32>
    %gather3A = tpu.vector_load_idx %arg5[%add3A_12] : memref<2048xf32, #tpu.memory_space<vmem>>[vector<16xi32>], vector<16xf32>,
    %add3A_13 = arith.addf %broadcast_in_dim3A_9, %gather3A : vector<16xf32>
    %add3A_14 = arith.constant 1 : i32
    %add3A_15 = vector.broadcast %add3A_14 : i32 to vector<16xi32>
    %add3A_16 = arith.addi %mul3A_8, %add3A_15 : vector<16xi32>
    %gather3A_17 = tpu.vector_load_idx %arg5[%add3A_16] : memref<2048xf32, #tpu.memory_space<vmem>>[vector<16xi32>], vector<16xf32>,
    %add3A_18 = arith.addf %add3A_13, %gather3A_17 : vector<16xf32>
    %add3A_19 = arith.constant 2 : i32
    %add3A_20 = vector.broadcast %add3A_19 : i32 to vector<16xi32>
    %add3A_21 = arith.addi %mul3A_8, %add3A_20 : vector<16xi32>
    %gather3A_22 = tpu.vector_load_idx %arg5[%add3A_21] : memref<2048xf32, #tpu.memory_space<vmem>>[vector<16xi32>], vector<16xf32>,
    %add3A_23 = arith.addf %add3A_18, %gather3A_22 : vector<16xf32>
    %add3A_24 = arith.constant 3 : i32
    %add3A_25 = vector.broadcast %add3A_24 : i32 to vector<16xi32>
    %add3A_26 = arith.addi %mul3A_8, %add3A_25 : vector<16xi32>
    %gather3A_27 = tpu.vector_load_idx %arg5[%add3A_26] : memref<2048xf32, #tpu.memory_space<vmem>>[vector<16xi32>], vector<16xf32>,
    %add3A_28 = arith.addf %add3A_23, %gather3A_27 : vector<16xf32>
    %swap3A = arith.constant 0 : index
    %swap3A_29 = tpu.vector_load %arg6[%swap3A] {strides = array<i32>} : memref<512xf32, #tpu.memory_space<vmem>>, vector<16xf32>,
    tpu.vector_store %arg6[%swap3A], %add3A_28 {strides = array<i32>} : memref<512xf32, #tpu.memory_space<vmem>>, vector<16xf32>,
    %iota3A_30 = tpu.iota {dimensions = array<i32: 0>} : vector<16xi32>
    %add3A_31 = arith.constant 16 : i32
    %add3A_32 = vector.broadcast %add3A_31 : i32 to vector<16xi32>
    %add3A_33 = arith.addi %iota3A_30, %add3A_32 : vector<16xi32>
    %mul3A_34 = arith.constant 4 : i32
    %mul3A_35 = vector.broadcast %mul3A_34 : i32 to vector<16xi32>
    %mul3A_36 = arith.muli %add3A_33, %mul3A_35 : vector<16xi32>
    %broadcast_in_dim3A_37 = arith.constant 0.000000e+00 : f32
    %broadcast_in_dim3A_38 = vector.broadcast %broadcast_in_dim3A_37 : f32 to vector<16xf32>
    %add3A_39 = arith.constant 0 : i32
    %add3A_40 = vector.broadcast %add3A_39 : i32 to vector<16xi32>
    %add3A_41 = arith.addi %mul3A_36, %add3A_40 : vector<16xi32>
    %gather3A_42 = tpu.vector_load_idx %arg5[%add3A_41] : memref<2048xf32, #tpu.memory_space<vmem>>[vector<16xi32>], vector<16xf32>,
    %add3A_43 = arith.addf %broadcast_in_dim3A_38, %gather3A_42 : vector<16xf32>
    %add3A_44 = arith.constant 1 : i32
    %add3A_45 = vector.broadcast %add3A_44 : i32 to vector<16xi32>
    %add3A_46 = arith.addi %mul3A_36, %add3A_45 : vector<16xi32>
    %gather3A_47 = tpu.vector_load_idx %arg5[%add3A_46] : memref<2048xf32, #tpu.memory_space<vmem>>[vector<16xi32>], vector<16xf32>,
    %add3A_48 = arith.addf %add3A_43, %gather3A_47 : vector<16xf32>
    %add3A_49 = arith.constant 2 : i32
    %add3A_50 = vector.broadcast %add3A_49 : i32 to vector<16xi32>
    %add3A_51 = arith.addi %mul3A_36, %add3A_50 : vector<16xi32>
    %gather3A_52 = tpu.vector_load_idx %arg5[%add3A_51] : memref<2048xf32, #tpu.memory_space<vmem>>[vector<16xi32>], vector<16xf32>,
    %add3A_53 = arith.addf %add3A_48, %gather3A_52 : vector<16xf32>
    %add3A_54 = arith.constant 3 : i32
    %add3A_55 = vector.broadcast %add3A_54 : i32 to vector<16xi32>
    %add3A_56 = arith.addi %mul3A_36, %add3A_55 : vector<16xi32>
    %gather3A_57 = tpu.vector_load_idx %arg5[%add3A_56] : memref<2048xf32, #tpu.memory_space<vmem>>[vector<16xi32>], vector<16xf32>,
    %add3A_58 = arith.addf %add3A_53, %gather3A_57 : vector<16xf32>
    %swap3A_59 = arith.constant 16 : index
    %swap3A_60 = tpu.vector_load %arg6[%swap3A_59] {strides = array<i32>} : memref<512xf32, #tpu.memory_space<vmem>>, vector<16xf32>,
    tpu.vector_store %arg6[%swap3A_59], %add3A_58 {strides = array<i32>} : memref<512xf32, #tpu.memory_space<vmem>>, vector<16xf32>,
    %iota3A_61 = tpu.iota {dimensions = array<i32: 0>} : vector<16xi32>
    %add3A_62 = arith.constant 32 : i32
    %add3A_63 = vector.broadcast %add3A_62 : i32 to vector<16xi32>
    %add3A_64 = arith.addi %iota3A_61, %add3A_63 : vector<16xi32>
    %mul3A_65 = arith.constant 4 : i32
    %mul3A_66 = vector.broadcast %mul3A_65 : i32 to vector<16xi32>
    %mul3A_67 = arith.muli %add3A_64, %mul3A_66 : vector<16xi32>
    %broadcast_in_dim3A_68 = arith.constant 0.000000e+00 : f32
    %broadcast_in_dim3A_69 = vector.broadcast %broadcast_in_dim3A_68 : f32 to vector<16xf32>
    %add3A_70 = arith.constant 0 : i32
    %add3A_71 = vector.broadcast %add3A_70 : i32 to vector<16xi32>
    %add3A_72 = arith.addi %mul3A_67, %add3A_71 : vector<16xi32>
    %gather3A_73 = tpu.vector_load_idx %arg5[%add3A_72] : memref<2048xf32, #tpu.memory_space<vmem>>[vector<16xi32>], vector<16xf32>,
    %add3A_74 = arith.addf %broadcast_in_dim3A_69, %gather3A_73 : vector<16xf32>
    %add3A_75 = arith.constant 1 : i32
    %add3A_76 = vector.broadcast %add3A_75 : i32 to vector<16xi32>
    %add3A_77 = arith.addi %mul3A_67, %add3A_76 : vector<16xi32>
    %gather3A_78 = tpu.vector_load_idx %arg5[%add3A_77] : memref<2048xf32, #tpu.memory_space<vmem>>[vector<16xi32>], vector<16xf32>,
    %add3A_79 = arith.addf %add3A_74, %gather3A_78 : vector<16xf32>
    %add3A_80 = arith.constant 2 : i32
    %add3A_81 = vector.broadcast %add3A_80 : i32 to vector<16xi32>
    %add3A_82 = arith.addi %mul3A_67, %add3A_81 : vector<16xi32>
    %gather3A_83 = tpu.vector_load_idx %arg5[%add3A_82] : memref<2048xf32, #tpu.memory_space<vmem>>[vector<16xi32>], vector<16xf32>,
    %add3A_84 = arith.addf %add3A_79, %gather3A_83 : vector<16xf32>
    %add3A_85 = arith.constant 3 : i32
    %add3A_86 = vector.broadcast %add3A_85 : i32 to vector<16xi32>
    %add3A_87 = arith.addi %mul3A_67, %add3A_86 : vector<16xi32>
    %gather3A_88 = tpu.vector_load_idx %arg5[%add3A_87] : memref<2048xf32, #tpu.memory_space<vmem>>[vector<16xi32>], vector<16xf32>,
    %add3A_89 = arith.addf %add3A_84, %gather3A_88 : vector<16xf32>
    %swap3A_90 = arith.constant 32 : index
    %swap3A_91 = tpu.vector_load %arg6[%swap3A_90] {strides = array<i32>} : memref<512xf32, #tpu.memory_space<vmem>>, vector<16xf32>,
    tpu.vector_store %arg6[%swap3A_90], %add3A_89 {strides = array<i32>} : memref<512xf32, #tpu.memory_space<vmem>>, vector<16xf32>,
    %iota3A_92 = tpu.iota {dimensions = array<i32: 0>} : vector<16xi32>
    %add3A_93 = arith.constant 48 : i32
    %add3A_94 = vector.broadcast %add3A_93 : i32 to vector<16xi32>
    %add3A_95 = arith.addi %iota3A_92, %add3A_94 : vector<16xi32>
    %mul3A_96 = arith.constant 4 : i32
    %mul3A_97 = vector.broadcast %mul3A_96 : i32 to vector<16xi32>
    %mul3A_98 = arith.muli %add3A_95, %mul3A_97 : vector<16xi32>
    %broadcast_in_dim3A_99 = arith.constant 0.000000e+00 : f32
    %broadcast_in_dim3A_100 = vector.broadcast %broadcast_in_dim3A_99 : f32 to vector<16xf32>
    %add3A_101 = arith.constant 0 : i32
    %add3A_102 = vector.broadcast %add3A_101 : i32 to vector<16xi32>
    %add3A_103 = arith.addi %mul3A_98, %add3A_102 : vector<16xi32>
    %gather3A_104 = tpu.vector_load_idx %arg5[%add3A_103] : memref<2048xf32, #tpu.memory_space<vmem>>[vector<16xi32>], vector<16xf32>,
    %add3A_105 = arith.addf %broadcast_in_dim3A_100, %gather3A_104 : vector<16xf32>
    %add3A_106 = arith.constant 1 : i32
    %add3A_107 = vector.broadcast %add3A_106 : i32 to vector<16xi32>
    %add3A_108 = arith.addi %mul3A_98, %add3A_107 : vector<16xi32>
    %gather3A_109 = tpu.vector_load_idx %arg5[%add3A_108] : memref<2048xf32, #tpu.memory_space<vmem>>[vector<16xi32>], vector<16xf32>,
    %add3A_110 = arith.addf %add3A_105, %gather3A_109 : vector<16xf32>
    %add3A_111 = arith.constant 2 : i32
    %add3A_112 = vector.broadcast %add3A_111 : i32 to vector<16xi32>
    %add3A_113 = arith.addi %mul3A_98, %add3A_112 : vector<16xi32>
    %gather3A_114 = tpu.vector_load_idx %arg5[%add3A_113] : memref<2048xf32, #tpu.memory_space<vmem>>[vector<16xi32>], vector<16xf32>,
    %add3A_115 = arith.addf %add3A_110, %gather3A_114 : vector<16xf32>
    %add3A_116 = arith.constant 3 : i32
    %add3A_117 = vector.broadcast %add3A_116 : i32 to vector<16xi32>
    %add3A_118 = arith.addi %mul3A_98, %add3A_117 : vector<16xi32>
    %gather3A_119 = tpu.vector_load_idx %arg5[%add3A_118] : memref<2048xf32, #tpu.memory_space<vmem>>[vector<16xi32>], vector<16xf32>,
    %add3A_120 = arith.addf %add3A_115, %gather3A_119 : vector<16xf32>
    %swap3A_121 = arith.constant 48 : index
    %swap3A_122 = tpu.vector_load %arg6[%swap3A_121] {strides = array<i32>} : memref<512xf32, #tpu.memory_space<vmem>>, vector<16xf32>,
    tpu.vector_store %arg6[%swap3A_121], %add3A_120 {strides = array<i32>} : memref<512xf32, #tpu.memory_space<vmem>>, vector<16xf32>,
    %iota3A_123 = tpu.iota {dimensions = array<i32: 0>} : vector<16xi32>
    %add3A_124 = arith.constant 64 : i32
    %add3A_125 = vector.broadcast %add3A_124 : i32 to vector<16xi32>
    %add3A_126 = arith.addi %iota3A_123, %add3A_125 : vector<16xi32>
    %mul3A_127 = arith.constant 4 : i32
    %mul3A_128 = vector.broadcast %mul3A_127 : i32 to vector<16xi32>
    %mul3A_129 = arith.muli %add3A_126, %mul3A_128 : vector<16xi32>
    %broadcast_in_dim3A_130 = arith.constant 0.000000e+00 : f32
    %broadcast_in_dim3A_131 = vector.broadcast %broadcast_in_dim3A_130 : f32 to vector<16xf32>
    %add3A_132 = arith.constant 0 : i32
    %add3A_133 = vector.broadcast %add3A_132 : i32 to vector<16xi32>
    %add3A_134 = arith.addi %mul3A_129, %add3A_133 : vector<16xi32>
    %gather3A_135 = tpu.vector_load_idx %arg5[%add3A_134] : memref<2048xf32, #tpu.memory_space<vmem>>[vector<16xi32>], vector<16xf32>,
    %add3A_136 = arith.addf %broadcast_in_dim3A_131, %gather3A_135 : vector<16xf32>
    %add3A_137 = arith.constant 1 : i32
    %add3A_138 = vector.broadcast %add3A_137 : i32 to vector<16xi32>
    %add3A_139 = arith.addi %mul3A_129, %add3A_138 : vector<16xi32>
    %gather3A_140 = tpu.vector_load_idx %arg5[%add3A_139] : memref<2048xf32, #tpu.memory_space<vmem>>[vector<16xi32>], vector<16xf32>,
    %add3A_141 = arith.addf %add3A_136, %gather3A_140 : vector<16xf32>
    %add3A_142 = arith.constant 2 : i32
    %add3A_143 = vector.broadcast %add3A_142 : i32 to vector<16xi32>
    %add3A_144 = arith.addi %mul3A_129, %add3A_143 : vector<16xi32>
    %gather3A_145 = tpu.vector_load_idx %arg5[%add3A_144] : memref<2048xf32, #tpu.memory_space<vmem>>[vector<16xi32>], vector<16xf32>,
    %add3A_146 = arith.addf %add3A_141, %gather3A_145 : vector<16xf32>
    %add3A_147 = arith.constant 3 : i32
    %add3A_148 = vector.broadcast %add3A_147 : i32 to vector<16xi32>
    %add3A_149 = arith.addi %mul3A_129, %add3A_148 : vector<16xi32>
    %gather3A_150 = tpu.vector_load_idx %arg5[%add3A_149] : memref<2048xf32, #tpu.memory_space<vmem>>[vector<16xi32>], vector<16xf32>,
    %add3A_151 = arith.addf %add3A_146, %gather3A_150 : vector<16xf32>
    %swap3A_152 = arith.constant 64 : index
    %swap3A_153 = tpu.vector_load %arg6[%swap3A_152] {strides = array<i32>} : memref<512xf32, #tpu.memory_space<vmem>>, vector<16xf32>,
    tpu.vector_store %arg6[%swap3A_152], %add3A_151 {strides = array<i32>} : memref<512xf32, #tpu.memory_space<vmem>>, vector<16xf32>,
    %iota3A_154 = tpu.iota {dimensions = array<i32: 0>} : vector<16xi32>
    %add3A_155 = arith.constant 80 : i32
    %add3A_156 = vector.broadcast %add3A_155 : i32 to vector<16xi32>
    %add3A_157 = arith.addi %iota3A_154, %add3A_156 : vector<16xi32>
    %mul3A_158 = arith.constant 4 : i32
    %mul3A_159 = vector.broadcast %mul3A_158 : i32 to vector<16xi32>
    %mul3A_160 = arith.muli %add3A_157, %mul3A_159 : vector<16xi32>
    %broadcast_in_dim3A_161 = arith.constant 0.000000e+00 : f32
    %broadcast_in_dim3A_162 = vector.broadcast %broadcast_in_dim3A_161 : f32 to vector<16xf32>
    %add3A_163 = arith.constant 0 : i32
    %add3A_164 = vector.broadcast %add3A_163 : i32 to vector<16xi32>
    %add3A_165 = arith.addi %mul3A_160, %add3A_164 : vector<16xi32>
    %gather3A_166 = tpu.vector_load_idx %arg5[%add3A_165] : memref<2048xf32, #tpu.memory_space<vmem>>[vector<16xi32>], vector<16xf32>,
    %add3A_167 = arith.addf %broadcast_in_dim3A_162, %gather3A_166 : vector<16xf32>
    %add3A_168 = arith.constant 1 : i32
    %add3A_169 = vector.broadcast %add3A_168 : i32 to vector<16xi32>
    %add3A_170 = arith.addi %mul3A_160, %add3A_169 : vector<16xi32>
    %gather3A_171 = tpu.vector_load_idx %arg5[%add3A_170] : memref<2048xf32, #tpu.memory_space<vmem>>[vector<16xi32>], vector<16xf32>,
    %add3A_172 = arith.addf %add3A_167, %gather3A_171 : vector<16xf32>
    %add3A_173 = arith.constant 2 : i32
    %add3A_174 = vector.broadcast %add3A_173 : i32 to vector<16xi32>
    %add3A_175 = arith.addi %mul3A_160, %add3A_174 : vector<16xi32>
    %gather3A_176 = tpu.vector_load_idx %arg5[%add3A_175] : memref<2048xf32, #tpu.memory_space<vmem>>[vector<16xi32>], vector<16xf32>,
    %add3A_177 = arith.addf %add3A_172, %gather3A_176 : vector<16xf32>
    %add3A_178 = arith.constant 3 : i32
    %add3A_179 = vector.broadcast %add3A_178 : i32 to vector<16xi32>
    %add3A_180 = arith.addi %mul3A_160, %add3A_179 : vector<16xi32>
    %gather3A_181 = tpu.vector_load_idx %arg5[%add3A_180] : memref<2048xf32, #tpu.memory_space<vmem>>[vector<16xi32>], vector<16xf32>,
    %add3A_182 = arith.addf %add3A_177, %gather3A_181 : vector<16xf32>
    %swap3A_183 = arith.constant 80 : index
    %swap3A_184 = tpu.vector_load %arg6[%swap3A_183] {strides = array<i32>} : memref<512xf32, #tpu.memory_space<vmem>>, vector<16xf32>,
    tpu.vector_store %arg6[%swap3A_183], %add3A_182 {strides = array<i32>} : memref<512xf32, #tpu.memory_space<vmem>>, vector<16xf32>,
    %iota3A_185 = tpu.iota {dimensions = array<i32: 0>} : vector<16xi32>
    %add3A_186 = arith.constant 96 : i32
    %add3A_187 = vector.broadcast %add3A_186 : i32 to vector<16xi32>
    %add3A_188 = arith.addi %iota3A_185, %add3A_187 : vector<16xi32>
    %mul3A_189 = arith.constant 4 : i32
    %mul3A_190 = vector.broadcast %mul3A_189 : i32 to vector<16xi32>
    %mul3A_191 = arith.muli %add3A_188, %mul3A_190 : vector<16xi32>
    %broadcast_in_dim3A_192 = arith.constant 0.000000e+00 : f32
    %broadcast_in_dim3A_193 = vector.broadcast %broadcast_in_dim3A_192 : f32 to vector<16xf32>
    %add3A_194 = arith.constant 0 : i32
    %add3A_195 = vector.broadcast %add3A_194 : i32 to vector<16xi32>
    %add3A_196 = arith.addi %mul3A_191, %add3A_195 : vector<16xi32>
    %gather3A_197 = tpu.vector_load_idx %arg5[%add3A_196] : memref<2048xf32, #tpu.memory_space<vmem>>[vector<16xi32>], vector<16xf32>,
    %add3A_198 = arith.addf %broadcast_in_dim3A_193, %gather3A_197 : vector<16xf32>
    %add3A_199 = arith.constant 1 : i32
    %add3A_200 = vector.broadcast %add3A_199 : i32 to vector<16xi32>
    %add3A_201 = arith.addi %mul3A_191, %add3A_200 : vector<16xi32>
    %gather3A_202 = tpu.vector_load_idx %arg5[%add3A_201] : memref<2048xf32, #tpu.memory_space<vmem>>[vector<16xi32>], vector<16xf32>,
    %add3A_203 = arith.addf %add3A_198, %gather3A_202 : vector<16xf32>
    %add3A_204 = arith.constant 2 : i32
    %add3A_205 = vector.broadcast %add3A_204 : i32 to vector<16xi32>
    %add3A_206 = arith.addi %mul3A_191, %add3A_205 : vector<16xi32>
    %gather3A_207 = tpu.vector_load_idx %arg5[%add3A_206] : memref<2048xf32, #tpu.memory_space<vmem>>[vector<16xi32>], vector<16xf32>,
    %add3A_208 = arith.addf %add3A_203, %gather3A_207 : vector<16xf32>
    %add3A_209 = arith.constant 3 : i32
    %add3A_210 = vector.broadcast %add3A_209 : i32 to vector<16xi32>
    %add3A_211 = arith.addi %mul3A_191, %add3A_210 : vector<16xi32>
    %gather3A_212 = tpu.vector_load_idx %arg5[%add3A_211] : memref<2048xf32, #tpu.memory_space<vmem>>[vector<16xi32>], vector<16xf32>,
    %add3A_213 = arith.addf %add3A_208, %gather3A_212 : vector<16xf32>
    %swap3A_214 = arith.constant 96 : index
    %swap3A_215 = tpu.vector_load %arg6[%swap3A_214] {strides = array<i32>} : memref<512xf32, #tpu.memory_space<vmem>>, vector<16xf32>,
    tpu.vector_store %arg6[%swap3A_214], %add3A_213 {strides = array<i32>} : memref<512xf32, #tpu.memory_space<vmem>>, vector<16xf32>,
    %iota3A_216 = tpu.iota {dimensions = array<i32: 0>} : vector<16xi32>
    %add3A_217 = arith.constant 112 : i32
    %add3A_218 = vector.broadcast %add3A_217 : i32 to vector<16xi32>
    %add3A_219 = arith.addi %iota3A_216, %add3A_218 : vector<16xi32>
    %mul3A_220 = arith.constant 4 : i32
    %mul3A_221 = vector.broadcast %mul3A_220 : i32 to vector<16xi32>
    %mul3A_222 = arith.muli %add3A_219, %mul3A_221 : vector<16xi32>
    %broadcast_in_dim3A_223 = arith.constant 0.000000e+00 : f32
    %broadcast_in_dim3A_224 = vector.broadcast %broadcast_in_dim3A_223 : f32 to vector<16xf32>
    %add3A_225 = arith.constant 0 : i32
    %add3A_226 = vector.broadcast %add3A_225 : i32 to vector<16xi32>
    %add3A_227 = arith.addi %mul3A_222, %add3A_226 : vector<16xi32>
    %gather3A_228 = tpu.vector_load_idx %arg5[%add3A_227] : memref<2048xf32, #tpu.memory_space<vmem>>[vector<16xi32>], vector<16xf32>,
    %add3A_229 = arith.addf %broadcast_in_dim3A_224, %gather3A_228 : vector<16xf32>
    %add3A_230 = arith.constant 1 : i32
    %add3A_231 = vector.broadcast %add3A_230 : i32 to vector<16xi32>
    %add3A_232 = arith.addi %mul3A_222, %add3A_231 : vector<16xi32>
    %gather3A_233 = tpu.vector_load_idx %arg5[%add3A_232] : memref<2048xf32, #tpu.memory_space<vmem>>[vector<16xi32>], vector<16xf32>,
    %add3A_234 = arith.addf %add3A_229, %gather3A_233 : vector<16xf32>
    %add3A_235 = arith.constant 2 : i32
    %add3A_236 = vector.broadcast %add3A_235 : i32 to vector<16xi32>
    %add3A_237 = arith.addi %mul3A_222, %add3A_236 : vector<16xi32>
    %gather3A_238 = tpu.vector_load_idx %arg5[%add3A_237] : memref<2048xf32, #tpu.memory_space<vmem>>[vector<16xi32>], vector<16xf32>,
    %add3A_239 = arith.addf %add3A_234, %gather3A_238 : vector<16xf32>
    %add3A_240 = arith.constant 3 : i32
    %add3A_241 = vector.broadcast %add3A_240 : i32 to vector<16xi32>
    %add3A_242 = arith.addi %mul3A_222, %add3A_241 : vector<16xi32>
    %gather3A_243 = tpu.vector_load_idx %arg5[%add3A_242] : memref<2048xf32, #tpu.memory_space<vmem>>[vector<16xi32>], vector<16xf32>,
    %add3A_244 = arith.addf %add3A_239, %gather3A_243 : vector<16xf32>
    %swap3A_245 = arith.constant 112 : index
    %swap3A_246 = tpu.vector_load %arg6[%swap3A_245] {strides = array<i32>} : memref<512xf32, #tpu.memory_space<vmem>>, vector<16xf32>,
    tpu.vector_store %arg6[%swap3A_245], %add3A_244 {strides = array<i32>} : memref<512xf32, #tpu.memory_space<vmem>>, vector<16xf32>,
    %iota3A_247 = tpu.iota {dimensions = array<i32: 0>} : vector<16xi32>
    %add3A_248 = arith.constant 128 : i32
    %add3A_249 = vector.broadcast %add3A_248 : i32 to vector<16xi32>
    %add3A_250 = arith.addi %iota3A_247, %add3A_249 : vector<16xi32>
    %mul3A_251 = arith.constant 4 : i32
    %mul3A_252 = vector.broadcast %mul3A_251 : i32 to vector<16xi32>
    %mul3A_253 = arith.muli %add3A_250, %mul3A_252 : vector<16xi32>
    %broadcast_in_dim3A_254 = arith.constant 0.000000e+00 : f32
    %broadcast_in_dim3A_255 = vector.broadcast %broadcast_in_dim3A_254 : f32 to vector<16xf32>
    %add3A_256 = arith.constant 0 : i32
    %add3A_257 = vector.broadcast %add3A_256 : i32 to vector<16xi32>
    %add3A_258 = arith.addi %mul3A_253, %add3A_257 : vector<16xi32>
    %gather3A_259 = tpu.vector_load_idx %arg5[%add3A_258] : memref<2048xf32, #tpu.memory_space<vmem>>[vector<16xi32>], vector<16xf32>,
    %add3A_260 = arith.addf %broadcast_in_dim3A_255, %gather3A_259 : vector<16xf32>
    %add3A_261 = arith.constant 1 : i32
    %add3A_262 = vector.broadcast %add3A_261 : i32 to vector<16xi32>
    %add3A_263 = arith.addi %mul3A_253, %add3A_262 : vector<16xi32>
    %gather3A_264 = tpu.vector_load_idx %arg5[%add3A_263] : memref<2048xf32, #tpu.memory_space<vmem>>[vector<16xi32>], vector<16xf32>,
    %add3A_265 = arith.addf %add3A_260, %gather3A_264 : vector<16xf32>
    %add3A_266 = arith.constant 2 : i32
    %add3A_267 = vector.broadcast %add3A_266 : i32 to vector<16xi32>
    %add3A_268 = arith.addi %mul3A_253, %add3A_267 : vector<16xi32>
    %gather3A_269 = tpu.vector_load_idx %arg5[%add3A_268] : memref<2048xf32, #tpu.memory_space<vmem>>[vector<16xi32>], vector<16xf32>,
    %add3A_270 = arith.addf %add3A_265, %gather3A_269 : vector<16xf32>
    %add3A_271 = arith.constant 3 : i32
    %add3A_272 = vector.broadcast %add3A_271 : i32 to vector<16xi32>
    %add3A_273 = arith.addi %mul3A_253, %add3A_272 : vector<16xi32>
    %gather3A_274 = tpu.vector_load_idx %arg5[%add3A_273] : memref<2048xf32, #tpu.memory_space<vmem>>[vector<16xi32>], vector<16xf32>,
    %add3A_275 = arith.addf %add3A_270, %gather3A_274 : vector<16xf32>
    %swap3A_276 = arith.constant 128 : index
    %swap3A_277 = tpu.vector_load %arg6[%swap3A_276] {strides = array<i32>} : memref<512xf32, #tpu.memory_space<vmem>>, vector<16xf32>,
    tpu.vector_store %arg6[%swap3A_276], %add3A_275 {strides = array<i32>} : memref<512xf32, #tpu.memory_space<vmem>>, vector<16xf32>,
    %iota3A_278 = tpu.iota {dimensions = array<i32: 0>} : vector<16xi32>
    %add3A_279 = arith.constant 144 : i32
    %add3A_280 = vector.broadcast %add3A_279 : i32 to vector<16xi32>
    %add3A_281 = arith.addi %iota3A_278, %add3A_280 : vector<16xi32>
    %mul3A_282 = arith.constant 4 : i32
    %mul3A_283 = vector.broadcast %mul3A_282 : i32 to vector<16xi32>
    %mul3A_284 = arith.muli %add3A_281, %mul3A_283 : vector<16xi32>
    %broadcast_in_dim3A_285 = arith.constant 0.000000e+00 : f32
    %broadcast_in_dim3A_286 = vector.broadcast %broadcast_in_dim3A_285 : f32 to vector<16xf32>
    %add3A_287 = arith.constant 0 : i32
    %add3A_288 = vector.broadcast %add3A_287 : i32 to vector<16xi32>
    %add3A_289 = arith.addi %mul3A_284, %add3A_288 : vector<16xi32>
    %gather3A_290 = tpu.vector_load_idx %arg5[%add3A_289] : memref<2048xf32, #tpu.memory_space<vmem>>[vector<16xi32>], vector<16xf32>,
    %add3A_291 = arith.addf %broadcast_in_dim3A_286, %gather3A_290 : vector<16xf32>
    %add3A_292 = arith.constant 1 : i32
    %add3A_293 = vector.broadcast %add3A_292 : i32 to vector<16xi32>
    %add3A_294 = arith.addi %mul3A_284, %add3A_293 : vector<16xi32>
    %gather3A_295 = tpu.vector_load_idx %arg5[%add3A_294] : memref<2048xf32, #tpu.memory_space<vmem>>[vector<16xi32>], vector<16xf32>,
    %add3A_296 = arith.addf %add3A_291, %gather3A_295 : vector<16xf32>
    %add3A_297 = arith.constant 2 : i32
    %add3A_298 = vector.broadcast %add3A_297 : i32 to vector<16xi32>
    %add3A_299 = arith.addi %mul3A_284, %add3A_298 : vector<16xi32>
    %gather3A_300 = tpu.vector_load_idx %arg5[%add3A_299] : memref<2048xf32, #tpu.memory_space<vmem>>[vector<16xi32>], vector<16xf32>,
    %add3A_301 = arith.addf %add3A_296, %gather3A_300 : vector<16xf32>
    %add3A_302 = arith.constant 3 : i32
    %add3A_303 = vector.broadcast %add3A_302 : i32 to vector<16xi32>
    %add3A_304 = arith.addi %mul3A_284, %add3A_303 : vector<16xi32>
    %gather3A_305 = tpu.vector_load_idx %arg5[%add3A_304] : memref<2048xf32, #tpu.memory_space<vmem>>[vector<16xi32>], vector<16xf32>,
    %add3A_306 = arith.addf %add3A_301, %gather3A_305 : vector<16xf32>
    %swap3A_307 = arith.constant 144 : index
    %swap3A_308 = tpu.vector_load %arg6[%swap3A_307] {strides = array<i32>} : memref<512xf32, #tpu.memory_space<vmem>>, vector<16xf32>,
    tpu.vector_store %arg6[%swap3A_307], %add3A_306 {strides = array<i32>} : memref<512xf32, #tpu.memory_space<vmem>>, vector<16xf32>,
    %iota3A_309 = tpu.iota {dimensions = array<i32: 0>} : vector<16xi32>
    %add3A_310 = arith.constant 160 : i32
    %add3A_311 = vector.broadcast %add3A_310 : i32 to vector<16xi32>
    %add3A_312 = arith.addi %iota3A_309, %add3A_311 : vector<16xi32>
    %mul3A_313 = arith.constant 4 : i32
    %mul3A_314 = vector.broadcast %mul3A_313 : i32 to vector<16xi32>
    %mul3A_315 = arith.muli %add3A_312, %mul3A_314 : vector<16xi32>
    %broadcast_in_dim3A_316 = arith.constant 0.000000e+00 : f32
    %broadcast_in_dim3A_317 = vector.broadcast %broadcast_in_dim3A_316 : f32 to vector<16xf32>
    %add3A_318 = arith.constant 0 : i32
    %add3A_319 = vector.broadcast %add3A_318 : i32 to vector<16xi32>
    %add3A_320 = arith.addi %mul3A_315, %add3A_319 : vector<16xi32>
    %gather3A_321 = tpu.vector_load_idx %arg5[%add3A_320] : memref<2048xf32, #tpu.memory_space<vmem>>[vector<16xi32>], vector<16xf32>,
    %add3A_322 = arith.addf %broadcast_in_dim3A_317, %gather3A_321 : vector<16xf32>
    %add3A_323 = arith.constant 1 : i32
    %add3A_324 = vector.broadcast %add3A_323 : i32 to vector<16xi32>
    %add3A_325 = arith.addi %mul3A_315, %add3A_324 : vector<16xi32>
    %gather3A_326 = tpu.vector_load_idx %arg5[%add3A_325] : memref<2048xf32, #tpu.memory_space<vmem>>[vector<16xi32>], vector<16xf32>,
    %add3A_327 = arith.addf %add3A_322, %gather3A_326 : vector<16xf32>
    %add3A_328 = arith.constant 2 : i32
    %add3A_329 = vector.broadcast %add3A_328 : i32 to vector<16xi32>
    %add3A_330 = arith.addi %mul3A_315, %add3A_329 : vector<16xi32>
    %gather3A_331 = tpu.vector_load_idx %arg5[%add3A_330] : memref<2048xf32, #tpu.memory_space<vmem>>[vector<16xi32>], vector<16xf32>,
    %add3A_332 = arith.addf %add3A_327, %gather3A_331 : vector<16xf32>
    %add3A_333 = arith.constant 3 : i32
    %add3A_334 = vector.broadcast %add3A_333 : i32 to vector<16xi32>
    %add3A_335 = arith.addi %mul3A_315, %add3A_334 : vector<16xi32>
    %gather3A_336 = tpu.vector_load_idx %arg5[%add3A_335] : memref<2048xf32, #tpu.memory_space<vmem>>[vector<16xi32>], vector<16xf32>,
    %add3A_337 = arith.addf %add3A_332, %gather3A_336 : vector<16xf32>
    %swap3A_338 = arith.constant 160 : index
    %swap3A_339 = tpu.vector_load %arg6[%swap3A_338] {strides = array<i32>} : memref<512xf32, #tpu.memory_space<vmem>>, vector<16xf32>,
    tpu.vector_store %arg6[%swap3A_338], %add3A_337 {strides = array<i32>} : memref<512xf32, #tpu.memory_space<vmem>>, vector<16xf32>,
    %iota3A_340 = tpu.iota {dimensions = array<i32: 0>} : vector<16xi32>
    %add3A_341 = arith.constant 176 : i32
    %add3A_342 = vector.broadcast %add3A_341 : i32 to vector<16xi32>
    %add3A_343 = arith.addi %iota3A_340, %add3A_342 : vector<16xi32>
    %mul3A_344 = arith.constant 4 : i32
    %mul3A_345 = vector.broadcast %mul3A_344 : i32 to vector<16xi32>
    %mul3A_346 = arith.muli %add3A_343, %mul3A_345 : vector<16xi32>
    %broadcast_in_dim3A_347 = arith.constant 0.000000e+00 : f32
    %broadcast_in_dim3A_348 = vector.broadcast %broadcast_in_dim3A_347 : f32 to vector<16xf32>
    %add3A_349 = arith.constant 0 : i32
    %add3A_350 = vector.broadcast %add3A_349 : i32 to vector<16xi32>
    %add3A_351 = arith.addi %mul3A_346, %add3A_350 : vector<16xi32>
    %gather3A_352 = tpu.vector_load_idx %arg5[%add3A_351] : memref<2048xf32, #tpu.memory_space<vmem>>[vector<16xi32>], vector<16xf32>,
    %add3A_353 = arith.addf %broadcast_in_dim3A_348, %gather3A_352 : vector<16xf32>
    %add3A_354 = arith.constant 1 : i32
    %add3A_355 = vector.broadcast %add3A_354 : i32 to vector<16xi32>
    %add3A_356 = arith.addi %mul3A_346, %add3A_355 : vector<16xi32>
    %gather3A_357 = tpu.vector_load_idx %arg5[%add3A_356] : memref<2048xf32, #tpu.memory_space<vmem>>[vector<16xi32>], vector<16xf32>,
    %add3A_358 = arith.addf %add3A_353, %gather3A_357 : vector<16xf32>
    %add3A_359 = arith.constant 2 : i32
    %add3A_360 = vector.broadcast %add3A_359 : i32 to vector<16xi32>
    %add3A_361 = arith.addi %mul3A_346, %add3A_360 : vector<16xi32>
    %gather3A_362 = tpu.vector_load_idx %arg5[%add3A_361] : memref<2048xf32, #tpu.memory_space<vmem>>[vector<16xi32>], vector<16xf32>,
    %add3A_363 = arith.addf %add3A_358, %gather3A_362 : vector<16xf32>
    %add3A_364 = arith.constant 3 : i32
    %add3A_365 = vector.broadcast %add3A_364 : i32 to vector<16xi32>
    %add3A_366 = arith.addi %mul3A_346, %add3A_365 : vector<16xi32>
    %gather3A_367 = tpu.vector_load_idx %arg5[%add3A_366] : memref<2048xf32, #tpu.memory_space<vmem>>[vector<16xi32>], vector<16xf32>,
    %add3A_368 = arith.addf %add3A_363, %gather3A_367 : vector<16xf32>
    %swap3A_369 = arith.constant 176 : index
    %swap3A_370 = tpu.vector_load %arg6[%swap3A_369] {strides = array<i32>} : memref<512xf32, #tpu.memory_space<vmem>>, vector<16xf32>,
    tpu.vector_store %arg6[%swap3A_369], %add3A_368 {strides = array<i32>} : memref<512xf32, #tpu.memory_space<vmem>>, vector<16xf32>,
    %iota3A_371 = tpu.iota {dimensions = array<i32: 0>} : vector<16xi32>
    %add3A_372 = arith.constant 192 : i32
    %add3A_373 = vector.broadcast %add3A_372 : i32 to vector<16xi32>
    %add3A_374 = arith.addi %iota3A_371, %add3A_373 : vector<16xi32>
    %mul3A_375 = arith.constant 4 : i32
    %mul3A_376 = vector.broadcast %mul3A_375 : i32 to vector<16xi32>
    %mul3A_377 = arith.muli %add3A_374, %mul3A_376 : vector<16xi32>
    %broadcast_in_dim3A_378 = arith.constant 0.000000e+00 : f32
    %broadcast_in_dim3A_379 = vector.broadcast %broadcast_in_dim3A_378 : f32 to vector<16xf32>
    %add3A_380 = arith.constant 0 : i32
    %add3A_381 = vector.broadcast %add3A_380 : i32 to vector<16xi32>
    %add3A_382 = arith.addi %mul3A_377, %add3A_381 : vector<16xi32>
    %gather3A_383 = tpu.vector_load_idx %arg5[%add3A_382] : memref<2048xf32, #tpu.memory_space<vmem>>[vector<16xi32>], vector<16xf32>,
    %add3A_384 = arith.addf %broadcast_in_dim3A_379, %gather3A_383 : vector<16xf32>
    %add3A_385 = arith.constant 1 : i32
    %add3A_386 = vector.broadcast %add3A_385 : i32 to vector<16xi32>
    %add3A_387 = arith.addi %mul3A_377, %add3A_386 : vector<16xi32>
    %gather3A_388 = tpu.vector_load_idx %arg5[%add3A_387] : memref<2048xf32, #tpu.memory_space<vmem>>[vector<16xi32>], vector<16xf32>,
    %add3A_389 = arith.addf %add3A_384, %gather3A_388 : vector<16xf32>
    %add3A_390 = arith.constant 2 : i32
    %add3A_391 = vector.broadcast %add3A_390 : i32 to vector<16xi32>
    %add3A_392 = arith.addi %mul3A_377, %add3A_391 : vector<16xi32>
    %gather3A_393 = tpu.vector_load_idx %arg5[%add3A_392] : memref<2048xf32, #tpu.memory_space<vmem>>[vector<16xi32>], vector<16xf32>,
    %add3A_394 = arith.addf %add3A_389, %gather3A_393 : vector<16xf32>
    %add3A_395 = arith.constant 3 : i32
    %add3A_396 = vector.broadcast %add3A_395 : i32 to vector<16xi32>
    %add3A_397 = arith.addi %mul3A_377, %add3A_396 : vector<16xi32>
    %gather3A_398 = tpu.vector_load_idx %arg5[%add3A_397] : memref<2048xf32, #tpu.memory_space<vmem>>[vector<16xi32>], vector<16xf32>,
    %add3A_399 = arith.addf %add3A_394, %gather3A_398 : vector<16xf32>
    %swap3A_400 = arith.constant 192 : index
    %swap3A_401 = tpu.vector_load %arg6[%swap3A_400] {strides = array<i32>} : memref<512xf32, #tpu.memory_space<vmem>>, vector<16xf32>,
    tpu.vector_store %arg6[%swap3A_400], %add3A_399 {strides = array<i32>} : memref<512xf32, #tpu.memory_space<vmem>>, vector<16xf32>,
    %iota3A_402 = tpu.iota {dimensions = array<i32: 0>} : vector<16xi32>
    %add3A_403 = arith.constant 208 : i32
    %add3A_404 = vector.broadcast %add3A_403 : i32 to vector<16xi32>
    %add3A_405 = arith.addi %iota3A_402, %add3A_404 : vector<16xi32>
    %mul3A_406 = arith.constant 4 : i32
    %mul3A_407 = vector.broadcast %mul3A_406 : i32 to vector<16xi32>
    %mul3A_408 = arith.muli %add3A_405, %mul3A_407 : vector<16xi32>
    %broadcast_in_dim3A_409 = arith.constant 0.000000e+00 : f32
    %broadcast_in_dim3A_410 = vector.broadcast %broadcast_in_dim3A_409 : f32 to vector<16xf32>
    %add3A_411 = arith.constant 0 : i32
    %add3A_412 = vector.broadcast %add3A_411 : i32 to vector<16xi32>
    %add3A_413 = arith.addi %mul3A_408, %add3A_412 : vector<16xi32>
    %gather3A_414 = tpu.vector_load_idx %arg5[%add3A_413] : memref<2048xf32, #tpu.memory_space<vmem>>[vector<16xi32>], vector<16xf32>,
    %add3A_415 = arith.addf %broadcast_in_dim3A_410, %gather3A_414 : vector<16xf32>
    %add3A_416 = arith.constant 1 : i32
    %add3A_417 = vector.broadcast %add3A_416 : i32 to vector<16xi32>
    %add3A_418 = arith.addi %mul3A_408, %add3A_417 : vector<16xi32>
    %gather3A_419 = tpu.vector_load_idx %arg5[%add3A_418] : memref<2048xf32, #tpu.memory_space<vmem>>[vector<16xi32>], vector<16xf32>,
    %add3A_420 = arith.addf %add3A_415, %gather3A_419 : vector<16xf32>
    %add3A_421 = arith.constant 2 : i32
    %add3A_422 = vector.broadcast %add3A_421 : i32 to vector<16xi32>
    %add3A_423 = arith.addi %mul3A_408, %add3A_422 : vector<16xi32>
    %gather3A_424 = tpu.vector_load_idx %arg5[%add3A_423] : memref<2048xf32, #tpu.memory_space<vmem>>[vector<16xi32>], vector<16xf32>,
    %add3A_425 = arith.addf %add3A_420, %gather3A_424 : vector<16xf32>
    %add3A_426 = arith.constant 3 : i32
    %add3A_427 = vector.broadcast %add3A_426 : i32 to vector<16xi32>
    %add3A_428 = arith.addi %mul3A_408, %add3A_427 : vector<16xi32>
    %gather3A_429 = tpu.vector_load_idx %arg5[%add3A_428] : memref<2048xf32, #tpu.memory_space<vmem>>[vector<16xi32>], vector<16xf32>,
    %add3A_430 = arith.addf %add3A_425, %gather3A_429 : vector<16xf32>
    %swap3A_431 = arith.constant 208 : index
    %swap3A_432 = tpu.vector_load %arg6[%swap3A_431] {strides = array<i32>} : memref<512xf32, #tpu.memory_space<vmem>>, vector<16xf32>,
    tpu.vector_store %arg6[%swap3A_431], %add3A_430 {strides = array<i32>} : memref<512xf32, #tpu.memory_space<vmem>>, vector<16xf32>,
    %iota3A_433 = tpu.iota {dimensions = array<i32: 0>} : vector<16xi32>
    %add3A_434 = arith.constant 224 : i32
    %add3A_435 = vector.broadcast %add3A_434 : i32 to vector<16xi32>
    %add3A_436 = arith.addi %iota3A_433, %add3A_435 : vector<16xi32>
    %mul3A_437 = arith.constant 4 : i32
    %mul3A_438 = vector.broadcast %mul3A_437 : i32 to vector<16xi32>
    %mul3A_439 = arith.muli %add3A_436, %mul3A_438 : vector<16xi32>
    %broadcast_in_dim3A_440 = arith.constant 0.000000e+00 : f32
    %broadcast_in_dim3A_441 = vector.broadcast %broadcast_in_dim3A_440 : f32 to vector<16xf32>
    %add3A_442 = arith.constant 0 : i32
    %add3A_443 = vector.broadcast %add3A_442 : i32 to vector<16xi32>
    %add3A_444 = arith.addi %mul3A_439, %add3A_443 : vector<16xi32>
    %gather3A_445 = tpu.vector_load_idx %arg5[%add3A_444] : memref<2048xf32, #tpu.memory_space<vmem>>[vector<16xi32>], vector<16xf32>,
    %add3A_446 = arith.addf %broadcast_in_dim3A_441, %gather3A_445 : vector<16xf32>
    %add3A_447 = arith.constant 1 : i32
    %add3A_448 = vector.broadcast %add3A_447 : i32 to vector<16xi32>
    %add3A_449 = arith.addi %mul3A_439, %add3A_448 : vector<16xi32>
    %gather3A_450 = tpu.vector_load_idx %arg5[%add3A_449] : memref<2048xf32, #tpu.memory_space<vmem>>[vector<16xi32>], vector<16xf32>,
    %add3A_451 = arith.addf %add3A_446, %gather3A_450 : vector<16xf32>
    %add3A_452 = arith.constant 2 : i32
    %add3A_453 = vector.broadcast %add3A_452 : i32 to vector<16xi32>
    %add3A_454 = arith.addi %mul3A_439, %add3A_453 : vector<16xi32>
    %gather3A_455 = tpu.vector_load_idx %arg5[%add3A_454] : memref<2048xf32, #tpu.memory_space<vmem>>[vector<16xi32>], vector<16xf32>,
    %add3A_456 = arith.addf %add3A_451, %gather3A_455 : vector<16xf32>
    %add3A_457 = arith.constant 3 : i32
    %add3A_458 = vector.broadcast %add3A_457 : i32 to vector<16xi32>
    %add3A_459 = arith.addi %mul3A_439, %add3A_458 : vector<16xi32>
    %gather3A_460 = tpu.vector_load_idx %arg5[%add3A_459] : memref<2048xf32, #tpu.memory_space<vmem>>[vector<16xi32>], vector<16xf32>,
    %add3A_461 = arith.addf %add3A_456, %gather3A_460 : vector<16xf32>
    %swap3A_462 = arith.constant 224 : index
    %swap3A_463 = tpu.vector_load %arg6[%swap3A_462] {strides = array<i32>} : memref<512xf32, #tpu.memory_space<vmem>>, vector<16xf32>,
    tpu.vector_store %arg6[%swap3A_462], %add3A_461 {strides = array<i32>} : memref<512xf32, #tpu.memory_space<vmem>>, vector<16xf32>,
    %iota3A_464 = tpu.iota {dimensions = array<i32: 0>} : vector<16xi32>
    %add3A_465 = arith.constant 240 : i32
    %add3A_466 = vector.broadcast %add3A_465 : i32 to vector<16xi32>
    %add3A_467 = arith.addi %iota3A_464, %add3A_466 : vector<16xi32>
    %mul3A_468 = arith.constant 4 : i32
    %mul3A_469 = vector.broadcast %mul3A_468 : i32 to vector<16xi32>
    %mul3A_470 = arith.muli %add3A_467, %mul3A_469 : vector<16xi32>
    %broadcast_in_dim3A_471 = arith.constant 0.000000e+00 : f32
    %broadcast_in_dim3A_472 = vector.broadcast %broadcast_in_dim3A_471 : f32 to vector<16xf32>
    %add3A_473 = arith.constant 0 : i32
    %add3A_474 = vector.broadcast %add3A_473 : i32 to vector<16xi32>
    %add3A_475 = arith.addi %mul3A_470, %add3A_474 : vector<16xi32>
    %gather3A_476 = tpu.vector_load_idx %arg5[%add3A_475] : memref<2048xf32, #tpu.memory_space<vmem>>[vector<16xi32>], vector<16xf32>,
    %add3A_477 = arith.addf %broadcast_in_dim3A_472, %gather3A_476 : vector<16xf32>
    %add3A_478 = arith.constant 1 : i32
    %add3A_479 = vector.broadcast %add3A_478 : i32 to vector<16xi32>
    %add3A_480 = arith.addi %mul3A_470, %add3A_479 : vector<16xi32>
    %gather3A_481 = tpu.vector_load_idx %arg5[%add3A_480] : memref<2048xf32, #tpu.memory_space<vmem>>[vector<16xi32>], vector<16xf32>,
    %add3A_482 = arith.addf %add3A_477, %gather3A_481 : vector<16xf32>
    %add3A_483 = arith.constant 2 : i32
    %add3A_484 = vector.broadcast %add3A_483 : i32 to vector<16xi32>
    %add3A_485 = arith.addi %mul3A_470, %add3A_484 : vector<16xi32>
    %gather3A_486 = tpu.vector_load_idx %arg5[%add3A_485] : memref<2048xf32, #tpu.memory_space<vmem>>[vector<16xi32>], vector<16xf32>,
    %add3A_487 = arith.addf %add3A_482, %gather3A_486 : vector<16xf32>
    %add3A_488 = arith.constant 3 : i32
    %add3A_489 = vector.broadcast %add3A_488 : i32 to vector<16xi32>
    %add3A_490 = arith.addi %mul3A_470, %add3A_489 : vector<16xi32>
    %gather3A_491 = tpu.vector_load_idx %arg5[%add3A_490] : memref<2048xf32, #tpu.memory_space<vmem>>[vector<16xi32>], vector<16xf32>,
    %add3A_492 = arith.addf %add3A_487, %gather3A_491 : vector<16xf32>
    %swap3A_493 = arith.constant 240 : index
    %swap3A_494 = tpu.vector_load %arg6[%swap3A_493] {strides = array<i32>} : memref<512xf32, #tpu.memory_space<vmem>>, vector<16xf32>,
    tpu.vector_store %arg6[%swap3A_493], %add3A_492 {strides = array<i32>} : memref<512xf32, #tpu.memory_space<vmem>>, vector<16xf32>,
    %iota3A_495 = tpu.iota {dimensions = array<i32: 0>} : vector<16xi32>
    %add3A_496 = arith.constant 256 : i32
    %add3A_497 = vector.broadcast %add3A_496 : i32 to vector<16xi32>
    %add3A_498 = arith.addi %iota3A_495, %add3A_497 : vector<16xi32>
    %mul3A_499 = arith.constant 4 : i32
    %mul3A_500 = vector.broadcast %mul3A_499 : i32 to vector<16xi32>
    %mul3A_501 = arith.muli %add3A_498, %mul3A_500 : vector<16xi32>
    %broadcast_in_dim3A_502 = arith.constant 0.000000e+00 : f32
    %broadcast_in_dim3A_503 = vector.broadcast %broadcast_in_dim3A_502 : f32 to vector<16xf32>
    %add3A_504 = arith.constant 0 : i32
    %add3A_505 = vector.broadcast %add3A_504 : i32 to vector<16xi32>
    %add3A_506 = arith.addi %mul3A_501, %add3A_505 : vector<16xi32>
    %gather3A_507 = tpu.vector_load_idx %arg5[%add3A_506] : memref<2048xf32, #tpu.memory_space<vmem>>[vector<16xi32>], vector<16xf32>,
    %add3A_508 = arith.addf %broadcast_in_dim3A_503, %gather3A_507 : vector<16xf32>
    %add3A_509 = arith.constant 1 : i32
    %add3A_510 = vector.broadcast %add3A_509 : i32 to vector<16xi32>
    %add3A_511 = arith.addi %mul3A_501, %add3A_510 : vector<16xi32>
    %gather3A_512 = tpu.vector_load_idx %arg5[%add3A_511] : memref<2048xf32, #tpu.memory_space<vmem>>[vector<16xi32>], vector<16xf32>,
    %add3A_513 = arith.addf %add3A_508, %gather3A_512 : vector<16xf32>
    %add3A_514 = arith.constant 2 : i32
    %add3A_515 = vector.broadcast %add3A_514 : i32 to vector<16xi32>
    %add3A_516 = arith.addi %mul3A_501, %add3A_515 : vector<16xi32>
    %gather3A_517 = tpu.vector_load_idx %arg5[%add3A_516] : memref<2048xf32, #tpu.memory_space<vmem>>[vector<16xi32>], vector<16xf32>,
    %add3A_518 = arith.addf %add3A_513, %gather3A_517 : vector<16xf32>
    %add3A_519 = arith.constant 3 : i32
    %add3A_520 = vector.broadcast %add3A_519 : i32 to vector<16xi32>
    %add3A_521 = arith.addi %mul3A_501, %add3A_520 : vector<16xi32>
    %gather3A_522 = tpu.vector_load_idx %arg5[%add3A_521] : memref<2048xf32, #tpu.memory_space<vmem>>[vector<16xi32>], vector<16xf32>,
    %add3A_523 = arith.addf %add3A_518, %gather3A_522 : vector<16xf32>
    %swap3A_524 = arith.constant 256 : index
    %swap3A_525 = tpu.vector_load %arg6[%swap3A_524] {strides = array<i32>} : memref<512xf32, #tpu.memory_space<vmem>>, vector<16xf32>,
    tpu.vector_store %arg6[%swap3A_524], %add3A_523 {strides = array<i32>} : memref<512xf32, #tpu.memory_space<vmem>>, vector<16xf32>,
    %iota3A_526 = tpu.iota {dimensions = array<i32: 0>} : vector<16xi32>
    %add3A_527 = arith.constant 272 : i32
    %add3A_528 = vector.broadcast %add3A_527 : i32 to vector<16xi32>
    %add3A_529 = arith.addi %iota3A_526, %add3A_528 : vector<16xi32>
    %mul3A_530 = arith.constant 4 : i32
    %mul3A_531 = vector.broadcast %mul3A_530 : i32 to vector<16xi32>
    %mul3A_532 = arith.muli %add3A_529, %mul3A_531 : vector<16xi32>
    %broadcast_in_dim3A_533 = arith.constant 0.000000e+00 : f32
    %broadcast_in_dim3A_534 = vector.broadcast %broadcast_in_dim3A_533 : f32 to vector<16xf32>
    %add3A_535 = arith.constant 0 : i32
    %add3A_536 = vector.broadcast %add3A_535 : i32 to vector<16xi32>
    %add3A_537 = arith.addi %mul3A_532, %add3A_536 : vector<16xi32>
    %gather3A_538 = tpu.vector_load_idx %arg5[%add3A_537] : memref<2048xf32, #tpu.memory_space<vmem>>[vector<16xi32>], vector<16xf32>,
    %add3A_539 = arith.addf %broadcast_in_dim3A_534, %gather3A_538 : vector<16xf32>
    %add3A_540 = arith.constant 1 : i32
    %add3A_541 = vector.broadcast %add3A_540 : i32 to vector<16xi32>
    %add3A_542 = arith.addi %mul3A_532, %add3A_541 : vector<16xi32>
    %gather3A_543 = tpu.vector_load_idx %arg5[%add3A_542] : memref<2048xf32, #tpu.memory_space<vmem>>[vector<16xi32>], vector<16xf32>,
    %add3A_544 = arith.addf %add3A_539, %gather3A_543 : vector<16xf32>
    %add3A_545 = arith.constant 2 : i32
    %add3A_546 = vector.broadcast %add3A_545 : i32 to vector<16xi32>
    %add3A_547 = arith.addi %mul3A_532, %add3A_546 : vector<16xi32>
    %gather3A_548 = tpu.vector_load_idx %arg5[%add3A_547] : memref<2048xf32, #tpu.memory_space<vmem>>[vector<16xi32>], vector<16xf32>,
    %add3A_549 = arith.addf %add3A_544, %gather3A_548 : vector<16xf32>
    %add3A_550 = arith.constant 3 : i32
    %add3A_551 = vector.broadcast %add3A_550 : i32 to vector<16xi32>
    %add3A_552 = arith.addi %mul3A_532, %add3A_551 : vector<16xi32>
    %gather3A_553 = tpu.vector_load_idx %arg5[%add3A_552] : memref<2048xf32, #tpu.memory_space<vmem>>[vector<16xi32>], vector<16xf32>,
    %add3A_554 = arith.addf %add3A_549, %gather3A_553 : vector<16xf32>
    %swap3A_555 = arith.constant 272 : index
    %swap3A_556 = tpu.vector_load %arg6[%swap3A_555] {strides = array<i32>} : memref<512xf32, #tpu.memory_space<vmem>>, vector<16xf32>,
    tpu.vector_store %arg6[%swap3A_555], %add3A_554 {strides = array<i32>} : memref<512xf32, #tpu.memory_space<vmem>>, vector<16xf32>,
    %iota3A_557 = tpu.iota {dimensions = array<i32: 0>} : vector<16xi32>
    %add3A_558 = arith.constant 288 : i32
    %add3A_559 = vector.broadcast %add3A_558 : i32 to vector<16xi32>
    %add3A_560 = arith.addi %iota3A_557, %add3A_559 : vector<16xi32>
    %mul3A_561 = arith.constant 4 : i32
    %mul3A_562 = vector.broadcast %mul3A_561 : i32 to vector<16xi32>
    %mul3A_563 = arith.muli %add3A_560, %mul3A_562 : vector<16xi32>
    %broadcast_in_dim3A_564 = arith.constant 0.000000e+00 : f32
    %broadcast_in_dim3A_565 = vector.broadcast %broadcast_in_dim3A_564 : f32 to vector<16xf32>
    %add3A_566 = arith.constant 0 : i32
    %add3A_567 = vector.broadcast %add3A_566 : i32 to vector<16xi32>
    %add3A_568 = arith.addi %mul3A_563, %add3A_567 : vector<16xi32>
    %gather3A_569 = tpu.vector_load_idx %arg5[%add3A_568] : memref<2048xf32, #tpu.memory_space<vmem>>[vector<16xi32>], vector<16xf32>,
    %add3A_570 = arith.addf %broadcast_in_dim3A_565, %gather3A_569 : vector<16xf32>
    %add3A_571 = arith.constant 1 : i32
    %add3A_572 = vector.broadcast %add3A_571 : i32 to vector<16xi32>
    %add3A_573 = arith.addi %mul3A_563, %add3A_572 : vector<16xi32>
    %gather3A_574 = tpu.vector_load_idx %arg5[%add3A_573] : memref<2048xf32, #tpu.memory_space<vmem>>[vector<16xi32>], vector<16xf32>,
    %add3A_575 = arith.addf %add3A_570, %gather3A_574 : vector<16xf32>
    %add3A_576 = arith.constant 2 : i32
    %add3A_577 = vector.broadcast %add3A_576 : i32 to vector<16xi32>
    %add3A_578 = arith.addi %mul3A_563, %add3A_577 : vector<16xi32>
    %gather3A_579 = tpu.vector_load_idx %arg5[%add3A_578] : memref<2048xf32, #tpu.memory_space<vmem>>[vector<16xi32>], vector<16xf32>,
    %add3A_580 = arith.addf %add3A_575, %gather3A_579 : vector<16xf32>
    %add3A_581 = arith.constant 3 : i32
    %add3A_582 = vector.broadcast %add3A_581 : i32 to vector<16xi32>
    %add3A_583 = arith.addi %mul3A_563, %add3A_582 : vector<16xi32>
    %gather3A_584 = tpu.vector_load_idx %arg5[%add3A_583] : memref<2048xf32, #tpu.memory_space<vmem>>[vector<16xi32>], vector<16xf32>,
    %add3A_585 = arith.addf %add3A_580, %gather3A_584 : vector<16xf32>
    %swap3A_586 = arith.constant 288 : index
    %swap3A_587 = tpu.vector_load %arg6[%swap3A_586] {strides = array<i32>} : memref<512xf32, #tpu.memory_space<vmem>>, vector<16xf32>,
    tpu.vector_store %arg6[%swap3A_586], %add3A_585 {strides = array<i32>} : memref<512xf32, #tpu.memory_space<vmem>>, vector<16xf32>,
    %iota3A_588 = tpu.iota {dimensions = array<i32: 0>} : vector<16xi32>
    %add3A_589 = arith.constant 304 : i32
    %add3A_590 = vector.broadcast %add3A_589 : i32 to vector<16xi32>
    %add3A_591 = arith.addi %iota3A_588, %add3A_590 : vector<16xi32>
    %mul3A_592 = arith.constant 4 : i32
    %mul3A_593 = vector.broadcast %mul3A_592 : i32 to vector<16xi32>
    %mul3A_594 = arith.muli %add3A_591, %mul3A_593 : vector<16xi32>
    %broadcast_in_dim3A_595 = arith.constant 0.000000e+00 : f32
    %broadcast_in_dim3A_596 = vector.broadcast %broadcast_in_dim3A_595 : f32 to vector<16xf32>
    %add3A_597 = arith.constant 0 : i32
    %add3A_598 = vector.broadcast %add3A_597 : i32 to vector<16xi32>
    %add3A_599 = arith.addi %mul3A_594, %add3A_598 : vector<16xi32>
    %gather3A_600 = tpu.vector_load_idx %arg5[%add3A_599] : memref<2048xf32, #tpu.memory_space<vmem>>[vector<16xi32>], vector<16xf32>,
    %add3A_601 = arith.addf %broadcast_in_dim3A_596, %gather3A_600 : vector<16xf32>
    %add3A_602 = arith.constant 1 : i32
    %add3A_603 = vector.broadcast %add3A_602 : i32 to vector<16xi32>
    %add3A_604 = arith.addi %mul3A_594, %add3A_603 : vector<16xi32>
    %gather3A_605 = tpu.vector_load_idx %arg5[%add3A_604] : memref<2048xf32, #tpu.memory_space<vmem>>[vector<16xi32>], vector<16xf32>,
    %add3A_606 = arith.addf %add3A_601, %gather3A_605 : vector<16xf32>
    %add3A_607 = arith.constant 2 : i32
    %add3A_608 = vector.broadcast %add3A_607 : i32 to vector<16xi32>
    %add3A_609 = arith.addi %mul3A_594, %add3A_608 : vector<16xi32>
    %gather3A_610 = tpu.vector_load_idx %arg5[%add3A_609] : memref<2048xf32, #tpu.memory_space<vmem>>[vector<16xi32>], vector<16xf32>,
    %add3A_611 = arith.addf %add3A_606, %gather3A_610 : vector<16xf32>
    %add3A_612 = arith.constant 3 : i32
    %add3A_613 = vector.broadcast %add3A_612 : i32 to vector<16xi32>
    %add3A_614 = arith.addi %mul3A_594, %add3A_613 : vector<16xi32>
    %gather3A_615 = tpu.vector_load_idx %arg5[%add3A_614] : memref<2048xf32, #tpu.memory_space<vmem>>[vector<16xi32>], vector<16xf32>,
    %add3A_616 = arith.addf %add3A_611, %gather3A_615 : vector<16xf32>
    %swap3A_617 = arith.constant 304 : index
    %swap3A_618 = tpu.vector_load %arg6[%swap3A_617] {strides = array<i32>} : memref<512xf32, #tpu.memory_space<vmem>>, vector<16xf32>,
    tpu.vector_store %arg6[%swap3A_617], %add3A_616 {strides = array<i32>} : memref<512xf32, #tpu.memory_space<vmem>>, vector<16xf32>,
    %iota3A_619 = tpu.iota {dimensions = array<i32: 0>} : vector<16xi32>
    %add3A_620 = arith.constant 320 : i32
    %add3A_621 = vector.broadcast %add3A_620 : i32 to vector<16xi32>
    %add3A_622 = arith.addi %iota3A_619, %add3A_621 : vector<16xi32>
    %mul3A_623 = arith.constant 4 : i32
    %mul3A_624 = vector.broadcast %mul3A_623 : i32 to vector<16xi32>
    %mul3A_625 = arith.muli %add3A_622, %mul3A_624 : vector<16xi32>
    %broadcast_in_dim3A_626 = arith.constant 0.000000e+00 : f32
    %broadcast_in_dim3A_627 = vector.broadcast %broadcast_in_dim3A_626 : f32 to vector<16xf32>
    %add3A_628 = arith.constant 0 : i32
    %add3A_629 = vector.broadcast %add3A_628 : i32 to vector<16xi32>
    %add3A_630 = arith.addi %mul3A_625, %add3A_629 : vector<16xi32>
    %gather3A_631 = tpu.vector_load_idx %arg5[%add3A_630] : memref<2048xf32, #tpu.memory_space<vmem>>[vector<16xi32>], vector<16xf32>,
    %add3A_632 = arith.addf %broadcast_in_dim3A_627, %gather3A_631 : vector<16xf32>
    %add3A_633 = arith.constant 1 : i32
    %add3A_634 = vector.broadcast %add3A_633 : i32 to vector<16xi32>
    %add3A_635 = arith.addi %mul3A_625, %add3A_634 : vector<16xi32>
    %gather3A_636 = tpu.vector_load_idx %arg5[%add3A_635] : memref<2048xf32, #tpu.memory_space<vmem>>[vector<16xi32>], vector<16xf32>,
    %add3A_637 = arith.addf %add3A_632, %gather3A_636 : vector<16xf32>
    %add3A_638 = arith.constant 2 : i32
    %add3A_639 = vector.broadcast %add3A_638 : i32 to vector<16xi32>
    %add3A_640 = arith.addi %mul3A_625, %add3A_639 : vector<16xi32>
    %gather3A_641 = tpu.vector_load_idx %arg5[%add3A_640] : memref<2048xf32, #tpu.memory_space<vmem>>[vector<16xi32>], vector<16xf32>,
    %add3A_642 = arith.addf %add3A_637, %gather3A_641 : vector<16xf32>
    %add3A_643 = arith.constant 3 : i32
    %add3A_644 = vector.broadcast %add3A_643 : i32 to vector<16xi32>
    %add3A_645 = arith.addi %mul3A_625, %add3A_644 : vector<16xi32>
    %gather3A_646 = tpu.vector_load_idx %arg5[%add3A_645] : memref<2048xf32, #tpu.memory_space<vmem>>[vector<16xi32>], vector<16xf32>,
    %add3A_647 = arith.addf %add3A_642, %gather3A_646 : vector<16xf32>
    %swap3A_648 = arith.constant 320 : index
    %swap3A_649 = tpu.vector_load %arg6[%swap3A_648] {strides = array<i32>} : memref<512xf32, #tpu.memory_space<vmem>>, vector<16xf32>,
    tpu.vector_store %arg6[%swap3A_648], %add3A_647 {strides = array<i32>} : memref<512xf32, #tpu.memory_space<vmem>>, vector<16xf32>,
    %iota3A_650 = tpu.iota {dimensions = array<i32: 0>} : vector<16xi32>
    %add3A_651 = arith.constant 336 : i32
    %add3A_652 = vector.broadcast %add3A_651 : i32 to vector<16xi32>
    %add3A_653 = arith.addi %iota3A_650, %add3A_652 : vector<16xi32>
    %mul3A_654 = arith.constant 4 : i32
    %mul3A_655 = vector.broadcast %mul3A_654 : i32 to vector<16xi32>
    %mul3A_656 = arith.muli %add3A_653, %mul3A_655 : vector<16xi32>
    %broadcast_in_dim3A_657 = arith.constant 0.000000e+00 : f32
    %broadcast_in_dim3A_658 = vector.broadcast %broadcast_in_dim3A_657 : f32 to vector<16xf32>
    %add3A_659 = arith.constant 0 : i32
    %add3A_660 = vector.broadcast %add3A_659 : i32 to vector<16xi32>
    %add3A_661 = arith.addi %mul3A_656, %add3A_660 : vector<16xi32>
    %gather3A_662 = tpu.vector_load_idx %arg5[%add3A_661] : memref<2048xf32, #tpu.memory_space<vmem>>[vector<16xi32>], vector<16xf32>,
    %add3A_663 = arith.addf %broadcast_in_dim3A_658, %gather3A_662 : vector<16xf32>
    %add3A_664 = arith.constant 1 : i32
    %add3A_665 = vector.broadcast %add3A_664 : i32 to vector<16xi32>
    %add3A_666 = arith.addi %mul3A_656, %add3A_665 : vector<16xi32>
    %gather3A_667 = tpu.vector_load_idx %arg5[%add3A_666] : memref<2048xf32, #tpu.memory_space<vmem>>[vector<16xi32>], vector<16xf32>,
    %add3A_668 = arith.addf %add3A_663, %gather3A_667 : vector<16xf32>
    %add3A_669 = arith.constant 2 : i32
    %add3A_670 = vector.broadcast %add3A_669 : i32 to vector<16xi32>
    %add3A_671 = arith.addi %mul3A_656, %add3A_670 : vector<16xi32>
    %gather3A_672 = tpu.vector_load_idx %arg5[%add3A_671] : memref<2048xf32, #tpu.memory_space<vmem>>[vector<16xi32>], vector<16xf32>,
    %add3A_673 = arith.addf %add3A_668, %gather3A_672 : vector<16xf32>
    %add3A_674 = arith.constant 3 : i32
    %add3A_675 = vector.broadcast %add3A_674 : i32 to vector<16xi32>
    %add3A_676 = arith.addi %mul3A_656, %add3A_675 : vector<16xi32>
    %gather3A_677 = tpu.vector_load_idx %arg5[%add3A_676] : memref<2048xf32, #tpu.memory_space<vmem>>[vector<16xi32>], vector<16xf32>,
    %add3A_678 = arith.addf %add3A_673, %gather3A_677 : vector<16xf32>
    %swap3A_679 = arith.constant 336 : index
    %swap3A_680 = tpu.vector_load %arg6[%swap3A_679] {strides = array<i32>} : memref<512xf32, #tpu.memory_space<vmem>>, vector<16xf32>,
    tpu.vector_store %arg6[%swap3A_679], %add3A_678 {strides = array<i32>} : memref<512xf32, #tpu.memory_space<vmem>>, vector<16xf32>,
    %iota3A_681 = tpu.iota {dimensions = array<i32: 0>} : vector<16xi32>
    %add3A_682 = arith.constant 352 : i32
    %add3A_683 = vector.broadcast %add3A_682 : i32 to vector<16xi32>
    %add3A_684 = arith.addi %iota3A_681, %add3A_683 : vector<16xi32>
    %mul3A_685 = arith.constant 4 : i32
    %mul3A_686 = vector.broadcast %mul3A_685 : i32 to vector<16xi32>
    %mul3A_687 = arith.muli %add3A_684, %mul3A_686 : vector<16xi32>
    %broadcast_in_dim3A_688 = arith.constant 0.000000e+00 : f32
    %broadcast_in_dim3A_689 = vector.broadcast %broadcast_in_dim3A_688 : f32 to vector<16xf32>
    %add3A_690 = arith.constant 0 : i32
    %add3A_691 = vector.broadcast %add3A_690 : i32 to vector<16xi32>
    %add3A_692 = arith.addi %mul3A_687, %add3A_691 : vector<16xi32>
    %gather3A_693 = tpu.vector_load_idx %arg5[%add3A_692] : memref<2048xf32, #tpu.memory_space<vmem>>[vector<16xi32>], vector<16xf32>,
    %add3A_694 = arith.addf %broadcast_in_dim3A_689, %gather3A_693 : vector<16xf32>
    %add3A_695 = arith.constant 1 : i32
    %add3A_696 = vector.broadcast %add3A_695 : i32 to vector<16xi32>
    %add3A_697 = arith.addi %mul3A_687, %add3A_696 : vector<16xi32>
    %gather3A_698 = tpu.vector_load_idx %arg5[%add3A_697] : memref<2048xf32, #tpu.memory_space<vmem>>[vector<16xi32>], vector<16xf32>,
    %add3A_699 = arith.addf %add3A_694, %gather3A_698 : vector<16xf32>
    %add3A_700 = arith.constant 2 : i32
    %add3A_701 = vector.broadcast %add3A_700 : i32 to vector<16xi32>
    %add3A_702 = arith.addi %mul3A_687, %add3A_701 : vector<16xi32>
    %gather3A_703 = tpu.vector_load_idx %arg5[%add3A_702] : memref<2048xf32, #tpu.memory_space<vmem>>[vector<16xi32>], vector<16xf32>,
    %add3A_704 = arith.addf %add3A_699, %gather3A_703 : vector<16xf32>
    %add3A_705 = arith.constant 3 : i32
    %add3A_706 = vector.broadcast %add3A_705 : i32 to vector<16xi32>
    %add3A_707 = arith.addi %mul3A_687, %add3A_706 : vector<16xi32>
    %gather3A_708 = tpu.vector_load_idx %arg5[%add3A_707] : memref<2048xf32, #tpu.memory_space<vmem>>[vector<16xi32>], vector<16xf32>,
    %add3A_709 = arith.addf %add3A_704, %gather3A_708 : vector<16xf32>
    %swap3A_710 = arith.constant 352 : index
    %swap3A_711 = tpu.vector_load %arg6[%swap3A_710] {strides = array<i32>} : memref<512xf32, #tpu.memory_space<vmem>>, vector<16xf32>,
    tpu.vector_store %arg6[%swap3A_710], %add3A_709 {strides = array<i32>} : memref<512xf32, #tpu.memory_space<vmem>>, vector<16xf32>,
    %iota3A_712 = tpu.iota {dimensions = array<i32: 0>} : vector<16xi32>
    %add3A_713 = arith.constant 368 : i32
    %add3A_714 = vector.broadcast %add3A_713 : i32 to vector<16xi32>
    %add3A_715 = arith.addi %iota3A_712, %add3A_714 : vector<16xi32>
    %mul3A_716 = arith.constant 4 : i32
    %mul3A_717 = vector.broadcast %mul3A_716 : i32 to vector<16xi32>
    %mul3A_718 = arith.muli %add3A_715, %mul3A_717 : vector<16xi32>
    %broadcast_in_dim3A_719 = arith.constant 0.000000e+00 : f32
    %broadcast_in_dim3A_720 = vector.broadcast %broadcast_in_dim3A_719 : f32 to vector<16xf32>
    %add3A_721 = arith.constant 0 : i32
    %add3A_722 = vector.broadcast %add3A_721 : i32 to vector<16xi32>
    %add3A_723 = arith.addi %mul3A_718, %add3A_722 : vector<16xi32>
    %gather3A_724 = tpu.vector_load_idx %arg5[%add3A_723] : memref<2048xf32, #tpu.memory_space<vmem>>[vector<16xi32>], vector<16xf32>,
    %add3A_725 = arith.addf %broadcast_in_dim3A_720, %gather3A_724 : vector<16xf32>
    %add3A_726 = arith.constant 1 : i32
    %add3A_727 = vector.broadcast %add3A_726 : i32 to vector<16xi32>
    %add3A_728 = arith.addi %mul3A_718, %add3A_727 : vector<16xi32>
    %gather3A_729 = tpu.vector_load_idx %arg5[%add3A_728] : memref<2048xf32, #tpu.memory_space<vmem>>[vector<16xi32>], vector<16xf32>,
    %add3A_730 = arith.addf %add3A_725, %gather3A_729 : vector<16xf32>
    %add3A_731 = arith.constant 2 : i32
    %add3A_732 = vector.broadcast %add3A_731 : i32 to vector<16xi32>
    %add3A_733 = arith.addi %mul3A_718, %add3A_732 : vector<16xi32>
    %gather3A_734 = tpu.vector_load_idx %arg5[%add3A_733] : memref<2048xf32, #tpu.memory_space<vmem>>[vector<16xi32>], vector<16xf32>,
    %add3A_735 = arith.addf %add3A_730, %gather3A_734 : vector<16xf32>
    %add3A_736 = arith.constant 3 : i32
    %add3A_737 = vector.broadcast %add3A_736 : i32 to vector<16xi32>
    %add3A_738 = arith.addi %mul3A_718, %add3A_737 : vector<16xi32>
    %gather3A_739 = tpu.vector_load_idx %arg5[%add3A_738] : memref<2048xf32, #tpu.memory_space<vmem>>[vector<16xi32>], vector<16xf32>,
    %add3A_740 = arith.addf %add3A_735, %gather3A_739 : vector<16xf32>
    %swap3A_741 = arith.constant 368 : index
    %swap3A_742 = tpu.vector_load %arg6[%swap3A_741] {strides = array<i32>} : memref<512xf32, #tpu.memory_space<vmem>>, vector<16xf32>,
    tpu.vector_store %arg6[%swap3A_741], %add3A_740 {strides = array<i32>} : memref<512xf32, #tpu.memory_space<vmem>>, vector<16xf32>,
    %iota3A_743 = tpu.iota {dimensions = array<i32: 0>} : vector<16xi32>
    %add3A_744 = arith.constant 384 : i32
    %add3A_745 = vector.broadcast %add3A_744 : i32 to vector<16xi32>
    %add3A_746 = arith.addi %iota3A_743, %add3A_745 : vector<16xi32>
    %mul3A_747 = arith.constant 4 : i32
    %mul3A_748 = vector.broadcast %mul3A_747 : i32 to vector<16xi32>
    %mul3A_749 = arith.muli %add3A_746, %mul3A_748 : vector<16xi32>
    %broadcast_in_dim3A_750 = arith.constant 0.000000e+00 : f32
    %broadcast_in_dim3A_751 = vector.broadcast %broadcast_in_dim3A_750 : f32 to vector<16xf32>
    %add3A_752 = arith.constant 0 : i32
    %add3A_753 = vector.broadcast %add3A_752 : i32 to vector<16xi32>
    %add3A_754 = arith.addi %mul3A_749, %add3A_753 : vector<16xi32>
    %gather3A_755 = tpu.vector_load_idx %arg5[%add3A_754] : memref<2048xf32, #tpu.memory_space<vmem>>[vector<16xi32>], vector<16xf32>,
    %add3A_756 = arith.addf %broadcast_in_dim3A_751, %gather3A_755 : vector<16xf32>
    %add3A_757 = arith.constant 1 : i32
    %add3A_758 = vector.broadcast %add3A_757 : i32 to vector<16xi32>
    %add3A_759 = arith.addi %mul3A_749, %add3A_758 : vector<16xi32>
    %gather3A_760 = tpu.vector_load_idx %arg5[%add3A_759] : memref<2048xf32, #tpu.memory_space<vmem>>[vector<16xi32>], vector<16xf32>,
    %add3A_761 = arith.addf %add3A_756, %gather3A_760 : vector<16xf32>
    %add3A_762 = arith.constant 2 : i32
    %add3A_763 = vector.broadcast %add3A_762 : i32 to vector<16xi32>
    %add3A_764 = arith.addi %mul3A_749, %add3A_763 : vector<16xi32>
    %gather3A_765 = tpu.vector_load_idx %arg5[%add3A_764] : memref<2048xf32, #tpu.memory_space<vmem>>[vector<16xi32>], vector<16xf32>,
    %add3A_766 = arith.addf %add3A_761, %gather3A_765 : vector<16xf32>
    %add3A_767 = arith.constant 3 : i32
    %add3A_768 = vector.broadcast %add3A_767 : i32 to vector<16xi32>
    %add3A_769 = arith.addi %mul3A_749, %add3A_768 : vector<16xi32>
    %gather3A_770 = tpu.vector_load_idx %arg5[%add3A_769] : memref<2048xf32, #tpu.memory_space<vmem>>[vector<16xi32>], vector<16xf32>,
    %add3A_771 = arith.addf %add3A_766, %gather3A_770 : vector<16xf32>
    %swap3A_772 = arith.constant 384 : index
    %swap3A_773 = tpu.vector_load %arg6[%swap3A_772] {strides = array<i32>} : memref<512xf32, #tpu.memory_space<vmem>>, vector<16xf32>,
    tpu.vector_store %arg6[%swap3A_772], %add3A_771 {strides = array<i32>} : memref<512xf32, #tpu.memory_space<vmem>>, vector<16xf32>,
    %iota3A_774 = tpu.iota {dimensions = array<i32: 0>} : vector<16xi32>
    %add3A_775 = arith.constant 400 : i32
    %add3A_776 = vector.broadcast %add3A_775 : i32 to vector<16xi32>
    %add3A_777 = arith.addi %iota3A_774, %add3A_776 : vector<16xi32>
    %mul3A_778 = arith.constant 4 : i32
    %mul3A_779 = vector.broadcast %mul3A_778 : i32 to vector<16xi32>
    %mul3A_780 = arith.muli %add3A_777, %mul3A_779 : vector<16xi32>
    %broadcast_in_dim3A_781 = arith.constant 0.000000e+00 : f32
    %broadcast_in_dim3A_782 = vector.broadcast %broadcast_in_dim3A_781 : f32 to vector<16xf32>
    %add3A_783 = arith.constant 0 : i32
    %add3A_784 = vector.broadcast %add3A_783 : i32 to vector<16xi32>
    %add3A_785 = arith.addi %mul3A_780, %add3A_784 : vector<16xi32>
    %gather3A_786 = tpu.vector_load_idx %arg5[%add3A_785] : memref<2048xf32, #tpu.memory_space<vmem>>[vector<16xi32>], vector<16xf32>,
    %add3A_787 = arith.addf %broadcast_in_dim3A_782, %gather3A_786 : vector<16xf32>
    %add3A_788 = arith.constant 1 : i32
    %add3A_789 = vector.broadcast %add3A_788 : i32 to vector<16xi32>
    %add3A_790 = arith.addi %mul3A_780, %add3A_789 : vector<16xi32>
    %gather3A_791 = tpu.vector_load_idx %arg5[%add3A_790] : memref<2048xf32, #tpu.memory_space<vmem>>[vector<16xi32>], vector<16xf32>,
    %add3A_792 = arith.addf %add3A_787, %gather3A_791 : vector<16xf32>
    %add3A_793 = arith.constant 2 : i32
    %add3A_794 = vector.broadcast %add3A_793 : i32 to vector<16xi32>
    %add3A_795 = arith.addi %mul3A_780, %add3A_794 : vector<16xi32>
    %gather3A_796 = tpu.vector_load_idx %arg5[%add3A_795] : memref<2048xf32, #tpu.memory_space<vmem>>[vector<16xi32>], vector<16xf32>,
    %add3A_797 = arith.addf %add3A_792, %gather3A_796 : vector<16xf32>
    %add3A_798 = arith.constant 3 : i32
    %add3A_799 = vector.broadcast %add3A_798 : i32 to vector<16xi32>
    %add3A_800 = arith.addi %mul3A_780, %add3A_799 : vector<16xi32>
    %gather3A_801 = tpu.vector_load_idx %arg5[%add3A_800] : memref<2048xf32, #tpu.memory_space<vmem>>[vector<16xi32>], vector<16xf32>,
    %add3A_802 = arith.addf %add3A_797, %gather3A_801 : vector<16xf32>
    %swap3A_803 = arith.constant 400 : index
    %swap3A_804 = tpu.vector_load %arg6[%swap3A_803] {strides = array<i32>} : memref<512xf32, #tpu.memory_space<vmem>>, vector<16xf32>,
    tpu.vector_store %arg6[%swap3A_803], %add3A_802 {strides = array<i32>} : memref<512xf32, #tpu.memory_space<vmem>>, vector<16xf32>,
    %iota3A_805 = tpu.iota {dimensions = array<i32: 0>} : vector<16xi32>
    %add3A_806 = arith.constant 416 : i32
    %add3A_807 = vector.broadcast %add3A_806 : i32 to vector<16xi32>
    %add3A_808 = arith.addi %iota3A_805, %add3A_807 : vector<16xi32>
    %mul3A_809 = arith.constant 4 : i32
    %mul3A_810 = vector.broadcast %mul3A_809 : i32 to vector<16xi32>
    %mul3A_811 = arith.muli %add3A_808, %mul3A_810 : vector<16xi32>
    %broadcast_in_dim3A_812 = arith.constant 0.000000e+00 : f32
    %broadcast_in_dim3A_813 = vector.broadcast %broadcast_in_dim3A_812 : f32 to vector<16xf32>
    %add3A_814 = arith.constant 0 : i32
    %add3A_815 = vector.broadcast %add3A_814 : i32 to vector<16xi32>
    %add3A_816 = arith.addi %mul3A_811, %add3A_815 : vector<16xi32>
    %gather3A_817 = tpu.vector_load_idx %arg5[%add3A_816] : memref<2048xf32, #tpu.memory_space<vmem>>[vector<16xi32>], vector<16xf32>,
    %add3A_818 = arith.addf %broadcast_in_dim3A_813, %gather3A_817 : vector<16xf32>
    %add3A_819 = arith.constant 1 : i32
    %add3A_820 = vector.broadcast %add3A_819 : i32 to vector<16xi32>
    %add3A_821 = arith.addi %mul3A_811, %add3A_820 : vector<16xi32>
    %gather3A_822 = tpu.vector_load_idx %arg5[%add3A_821] : memref<2048xf32, #tpu.memory_space<vmem>>[vector<16xi32>], vector<16xf32>,
    %add3A_823 = arith.addf %add3A_818, %gather3A_822 : vector<16xf32>
    %add3A_824 = arith.constant 2 : i32
    %add3A_825 = vector.broadcast %add3A_824 : i32 to vector<16xi32>
    %add3A_826 = arith.addi %mul3A_811, %add3A_825 : vector<16xi32>
    %gather3A_827 = tpu.vector_load_idx %arg5[%add3A_826] : memref<2048xf32, #tpu.memory_space<vmem>>[vector<16xi32>], vector<16xf32>,
    %add3A_828 = arith.addf %add3A_823, %gather3A_827 : vector<16xf32>
    %add3A_829 = arith.constant 3 : i32
    %add3A_830 = vector.broadcast %add3A_829 : i32 to vector<16xi32>
    %add3A_831 = arith.addi %mul3A_811, %add3A_830 : vector<16xi32>
    %gather3A_832 = tpu.vector_load_idx %arg5[%add3A_831] : memref<2048xf32, #tpu.memory_space<vmem>>[vector<16xi32>], vector<16xf32>,
    %add3A_833 = arith.addf %add3A_828, %gather3A_832 : vector<16xf32>
    %swap3A_834 = arith.constant 416 : index
    %swap3A_835 = tpu.vector_load %arg6[%swap3A_834] {strides = array<i32>} : memref<512xf32, #tpu.memory_space<vmem>>, vector<16xf32>,
    tpu.vector_store %arg6[%swap3A_834], %add3A_833 {strides = array<i32>} : memref<512xf32, #tpu.memory_space<vmem>>, vector<16xf32>,
    %iota3A_836 = tpu.iota {dimensions = array<i32: 0>} : vector<16xi32>
    %add3A_837 = arith.constant 432 : i32
    %add3A_838 = vector.broadcast %add3A_837 : i32 to vector<16xi32>
    %add3A_839 = arith.addi %iota3A_836, %add3A_838 : vector<16xi32>
    %mul3A_840 = arith.constant 4 : i32
    %mul3A_841 = vector.broadcast %mul3A_840 : i32 to vector<16xi32>
    %mul3A_842 = arith.muli %add3A_839, %mul3A_841 : vector<16xi32>
    %broadcast_in_dim3A_843 = arith.constant 0.000000e+00 : f32
    %broadcast_in_dim3A_844 = vector.broadcast %broadcast_in_dim3A_843 : f32 to vector<16xf32>
    %add3A_845 = arith.constant 0 : i32
    %add3A_846 = vector.broadcast %add3A_845 : i32 to vector<16xi32>
    %add3A_847 = arith.addi %mul3A_842, %add3A_846 : vector<16xi32>
    %gather3A_848 = tpu.vector_load_idx %arg5[%add3A_847] : memref<2048xf32, #tpu.memory_space<vmem>>[vector<16xi32>], vector<16xf32>,
    %add3A_849 = arith.addf %broadcast_in_dim3A_844, %gather3A_848 : vector<16xf32>
    %add3A_850 = arith.constant 1 : i32
    %add3A_851 = vector.broadcast %add3A_850 : i32 to vector<16xi32>
    %add3A_852 = arith.addi %mul3A_842, %add3A_851 : vector<16xi32>
    %gather3A_853 = tpu.vector_load_idx %arg5[%add3A_852] : memref<2048xf32, #tpu.memory_space<vmem>>[vector<16xi32>], vector<16xf32>,
    %add3A_854 = arith.addf %add3A_849, %gather3A_853 : vector<16xf32>
    %add3A_855 = arith.constant 2 : i32
    %add3A_856 = vector.broadcast %add3A_855 : i32 to vector<16xi32>
    %add3A_857 = arith.addi %mul3A_842, %add3A_856 : vector<16xi32>
    %gather3A_858 = tpu.vector_load_idx %arg5[%add3A_857] : memref<2048xf32, #tpu.memory_space<vmem>>[vector<16xi32>], vector<16xf32>,
    %add3A_859 = arith.addf %add3A_854, %gather3A_858 : vector<16xf32>
    %add3A_860 = arith.constant 3 : i32
    %add3A_861 = vector.broadcast %add3A_860 : i32 to vector<16xi32>
    %add3A_862 = arith.addi %mul3A_842, %add3A_861 : vector<16xi32>
    %gather3A_863 = tpu.vector_load_idx %arg5[%add3A_862] : memref<2048xf32, #tpu.memory_space<vmem>>[vector<16xi32>], vector<16xf32>,
    %add3A_864 = arith.addf %add3A_859, %gather3A_863 : vector<16xf32>
    %swap3A_865 = arith.constant 432 : index
    %swap3A_866 = tpu.vector_load %arg6[%swap3A_865] {strides = array<i32>} : memref<512xf32, #tpu.memory_space<vmem>>, vector<16xf32>,
    tpu.vector_store %arg6[%swap3A_865], %add3A_864 {strides = array<i32>} : memref<512xf32, #tpu.memory_space<vmem>>, vector<16xf32>,
    %iota3A_867 = tpu.iota {dimensions = array<i32: 0>} : vector<16xi32>
    %add3A_868 = arith.constant 448 : i32
    %add3A_869 = vector.broadcast %add3A_868 : i32 to vector<16xi32>
    %add3A_870 = arith.addi %iota3A_867, %add3A_869 : vector<16xi32>
    %mul3A_871 = arith.constant 4 : i32
    %mul3A_872 = vector.broadcast %mul3A_871 : i32 to vector<16xi32>
    %mul3A_873 = arith.muli %add3A_870, %mul3A_872 : vector<16xi32>
    %broadcast_in_dim3A_874 = arith.constant 0.000000e+00 : f32
    %broadcast_in_dim3A_875 = vector.broadcast %broadcast_in_dim3A_874 : f32 to vector<16xf32>
    %add3A_876 = arith.constant 0 : i32
    %add3A_877 = vector.broadcast %add3A_876 : i32 to vector<16xi32>
    %add3A_878 = arith.addi %mul3A_873, %add3A_877 : vector<16xi32>
    %gather3A_879 = tpu.vector_load_idx %arg5[%add3A_878] : memref<2048xf32, #tpu.memory_space<vmem>>[vector<16xi32>], vector<16xf32>,
    %add3A_880 = arith.addf %broadcast_in_dim3A_875, %gather3A_879 : vector<16xf32>
    %add3A_881 = arith.constant 1 : i32
    %add3A_882 = vector.broadcast %add3A_881 : i32 to vector<16xi32>
    %add3A_883 = arith.addi %mul3A_873, %add3A_882 : vector<16xi32>
    %gather3A_884 = tpu.vector_load_idx %arg5[%add3A_883] : memref<2048xf32, #tpu.memory_space<vmem>>[vector<16xi32>], vector<16xf32>,
    %add3A_885 = arith.addf %add3A_880, %gather3A_884 : vector<16xf32>
    %add3A_886 = arith.constant 2 : i32
    %add3A_887 = vector.broadcast %add3A_886 : i32 to vector<16xi32>
    %add3A_888 = arith.addi %mul3A_873, %add3A_887 : vector<16xi32>
    %gather3A_889 = tpu.vector_load_idx %arg5[%add3A_888] : memref<2048xf32, #tpu.memory_space<vmem>>[vector<16xi32>], vector<16xf32>,
    %add3A_890 = arith.addf %add3A_885, %gather3A_889 : vector<16xf32>
    %add3A_891 = arith.constant 3 : i32
    %add3A_892 = vector.broadcast %add3A_891 : i32 to vector<16xi32>
    %add3A_893 = arith.addi %mul3A_873, %add3A_892 : vector<16xi32>
    %gather3A_894 = tpu.vector_load_idx %arg5[%add3A_893] : memref<2048xf32, #tpu.memory_space<vmem>>[vector<16xi32>], vector<16xf32>,
    %add3A_895 = arith.addf %add3A_890, %gather3A_894 : vector<16xf32>
    %swap3A_896 = arith.constant 448 : index
    %swap3A_897 = tpu.vector_load %arg6[%swap3A_896] {strides = array<i32>} : memref<512xf32, #tpu.memory_space<vmem>>, vector<16xf32>,
    tpu.vector_store %arg6[%swap3A_896], %add3A_895 {strides = array<i32>} : memref<512xf32, #tpu.memory_space<vmem>>, vector<16xf32>,
    %iota3A_898 = tpu.iota {dimensions = array<i32: 0>} : vector<16xi32>
    %add3A_899 = arith.constant 464 : i32
    %add3A_900 = vector.broadcast %add3A_899 : i32 to vector<16xi32>
    %add3A_901 = arith.addi %iota3A_898, %add3A_900 : vector<16xi32>
    %mul3A_902 = arith.constant 4 : i32
    %mul3A_903 = vector.broadcast %mul3A_902 : i32 to vector<16xi32>
    %mul3A_904 = arith.muli %add3A_901, %mul3A_903 : vector<16xi32>
    %broadcast_in_dim3A_905 = arith.constant 0.000000e+00 : f32
    %broadcast_in_dim3A_906 = vector.broadcast %broadcast_in_dim3A_905 : f32 to vector<16xf32>
    %add3A_907 = arith.constant 0 : i32
    %add3A_908 = vector.broadcast %add3A_907 : i32 to vector<16xi32>
    %add3A_909 = arith.addi %mul3A_904, %add3A_908 : vector<16xi32>
    %gather3A_910 = tpu.vector_load_idx %arg5[%add3A_909] : memref<2048xf32, #tpu.memory_space<vmem>>[vector<16xi32>], vector<16xf32>,
    %add3A_911 = arith.addf %broadcast_in_dim3A_906, %gather3A_910 : vector<16xf32>
    %add3A_912 = arith.constant 1 : i32
    %add3A_913 = vector.broadcast %add3A_912 : i32 to vector<16xi32>
    %add3A_914 = arith.addi %mul3A_904, %add3A_913 : vector<16xi32>
    %gather3A_915 = tpu.vector_load_idx %arg5[%add3A_914] : memref<2048xf32, #tpu.memory_space<vmem>>[vector<16xi32>], vector<16xf32>,
    %add3A_916 = arith.addf %add3A_911, %gather3A_915 : vector<16xf32>
    %add3A_917 = arith.constant 2 : i32
    %add3A_918 = vector.broadcast %add3A_917 : i32 to vector<16xi32>
    %add3A_919 = arith.addi %mul3A_904, %add3A_918 : vector<16xi32>
    %gather3A_920 = tpu.vector_load_idx %arg5[%add3A_919] : memref<2048xf32, #tpu.memory_space<vmem>>[vector<16xi32>], vector<16xf32>,
    %add3A_921 = arith.addf %add3A_916, %gather3A_920 : vector<16xf32>
    %add3A_922 = arith.constant 3 : i32
    %add3A_923 = vector.broadcast %add3A_922 : i32 to vector<16xi32>
    %add3A_924 = arith.addi %mul3A_904, %add3A_923 : vector<16xi32>
    %gather3A_925 = tpu.vector_load_idx %arg5[%add3A_924] : memref<2048xf32, #tpu.memory_space<vmem>>[vector<16xi32>], vector<16xf32>,
    %add3A_926 = arith.addf %add3A_921, %gather3A_925 : vector<16xf32>
    %swap3A_927 = arith.constant 464 : index
    %swap3A_928 = tpu.vector_load %arg6[%swap3A_927] {strides = array<i32>} : memref<512xf32, #tpu.memory_space<vmem>>, vector<16xf32>,
    tpu.vector_store %arg6[%swap3A_927], %add3A_926 {strides = array<i32>} : memref<512xf32, #tpu.memory_space<vmem>>, vector<16xf32>,
    %iota3A_929 = tpu.iota {dimensions = array<i32: 0>} : vector<16xi32>
    %add3A_930 = arith.constant 480 : i32
    %add3A_931 = vector.broadcast %add3A_930 : i32 to vector<16xi32>
    %add3A_932 = arith.addi %iota3A_929, %add3A_931 : vector<16xi32>
    %mul3A_933 = arith.constant 4 : i32
    %mul3A_934 = vector.broadcast %mul3A_933 : i32 to vector<16xi32>
    %mul3A_935 = arith.muli %add3A_932, %mul3A_934 : vector<16xi32>
    %broadcast_in_dim3A_936 = arith.constant 0.000000e+00 : f32
    %broadcast_in_dim3A_937 = vector.broadcast %broadcast_in_dim3A_936 : f32 to vector<16xf32>
    %add3A_938 = arith.constant 0 : i32
    %add3A_939 = vector.broadcast %add3A_938 : i32 to vector<16xi32>
    %add3A_940 = arith.addi %mul3A_935, %add3A_939 : vector<16xi32>
    %gather3A_941 = tpu.vector_load_idx %arg5[%add3A_940] : memref<2048xf32, #tpu.memory_space<vmem>>[vector<16xi32>], vector<16xf32>,
    %add3A_942 = arith.addf %broadcast_in_dim3A_937, %gather3A_941 : vector<16xf32>
    %add3A_943 = arith.constant 1 : i32
    %add3A_944 = vector.broadcast %add3A_943 : i32 to vector<16xi32>
    %add3A_945 = arith.addi %mul3A_935, %add3A_944 : vector<16xi32>
    %gather3A_946 = tpu.vector_load_idx %arg5[%add3A_945] : memref<2048xf32, #tpu.memory_space<vmem>>[vector<16xi32>], vector<16xf32>,
    %add3A_947 = arith.addf %add3A_942, %gather3A_946 : vector<16xf32>
    %add3A_948 = arith.constant 2 : i32
    %add3A_949 = vector.broadcast %add3A_948 : i32 to vector<16xi32>
    %add3A_950 = arith.addi %mul3A_935, %add3A_949 : vector<16xi32>
    %gather3A_951 = tpu.vector_load_idx %arg5[%add3A_950] : memref<2048xf32, #tpu.memory_space<vmem>>[vector<16xi32>], vector<16xf32>,
    %add3A_952 = arith.addf %add3A_947, %gather3A_951 : vector<16xf32>
    %add3A_953 = arith.constant 3 : i32
    %add3A_954 = vector.broadcast %add3A_953 : i32 to vector<16xi32>
    %add3A_955 = arith.addi %mul3A_935, %add3A_954 : vector<16xi32>
    %gather3A_956 = tpu.vector_load_idx %arg5[%add3A_955] : memref<2048xf32, #tpu.memory_space<vmem>>[vector<16xi32>], vector<16xf32>,
    %add3A_957 = arith.addf %add3A_952, %gather3A_956 : vector<16xf32>
    %swap3A_958 = arith.constant 480 : index
    %swap3A_959 = tpu.vector_load %arg6[%swap3A_958] {strides = array<i32>} : memref<512xf32, #tpu.memory_space<vmem>>, vector<16xf32>,
    tpu.vector_store %arg6[%swap3A_958], %add3A_957 {strides = array<i32>} : memref<512xf32, #tpu.memory_space<vmem>>, vector<16xf32>,
    %iota3A_960 = tpu.iota {dimensions = array<i32: 0>} : vector<16xi32>
    %add3A_961 = arith.constant 496 : i32
    %add3A_962 = vector.broadcast %add3A_961 : i32 to vector<16xi32>
    %add3A_963 = arith.addi %iota3A_960, %add3A_962 : vector<16xi32>
    %mul3A_964 = arith.constant 4 : i32
    %mul3A_965 = vector.broadcast %mul3A_964 : i32 to vector<16xi32>
    %mul3A_966 = arith.muli %add3A_963, %mul3A_965 : vector<16xi32>
    %broadcast_in_dim3A_967 = arith.constant 0.000000e+00 : f32
    %broadcast_in_dim3A_968 = vector.broadcast %broadcast_in_dim3A_967 : f32 to vector<16xf32>
    %add3A_969 = arith.constant 0 : i32
    %add3A_970 = vector.broadcast %add3A_969 : i32 to vector<16xi32>
    %add3A_971 = arith.addi %mul3A_966, %add3A_970 : vector<16xi32>
    %gather3A_972 = tpu.vector_load_idx %arg5[%add3A_971] : memref<2048xf32, #tpu.memory_space<vmem>>[vector<16xi32>], vector<16xf32>,
    %add3A_973 = arith.addf %broadcast_in_dim3A_968, %gather3A_972 : vector<16xf32>
    %add3A_974 = arith.constant 1 : i32
    %add3A_975 = vector.broadcast %add3A_974 : i32 to vector<16xi32>
    %add3A_976 = arith.addi %mul3A_966, %add3A_975 : vector<16xi32>
    %gather3A_977 = tpu.vector_load_idx %arg5[%add3A_976] : memref<2048xf32, #tpu.memory_space<vmem>>[vector<16xi32>], vector<16xf32>,
    %add3A_978 = arith.addf %add3A_973, %gather3A_977 : vector<16xf32>
    %add3A_979 = arith.constant 2 : i32
    %add3A_980 = vector.broadcast %add3A_979 : i32 to vector<16xi32>
    %add3A_981 = arith.addi %mul3A_966, %add3A_980 : vector<16xi32>
    %gather3A_982 = tpu.vector_load_idx %arg5[%add3A_981] : memref<2048xf32, #tpu.memory_space<vmem>>[vector<16xi32>], vector<16xf32>,
    %add3A_983 = arith.addf %add3A_978, %gather3A_982 : vector<16xf32>
    %add3A_984 = arith.constant 3 : i32
    %add3A_985 = vector.broadcast %add3A_984 : i32 to vector<16xi32>
    %add3A_986 = arith.addi %mul3A_966, %add3A_985 : vector<16xi32>
    %gather3A_987 = tpu.vector_load_idx %arg5[%add3A_986] : memref<2048xf32, #tpu.memory_space<vmem>>[vector<16xi32>], vector<16xf32>,
    %add3A_988 = arith.addf %add3A_983, %gather3A_987 : vector<16xf32>
    %swap3A_989 = arith.constant 496 : index
    %swap3A_990 = tpu.vector_load %arg6[%swap3A_989] {strides = array<i32>} : memref<512xf32, #tpu.memory_space<vmem>>, vector<16xf32>,
    tpu.vector_store %arg6[%swap3A_989], %add3A_988 {strides = array<i32>} : memref<512xf32, #tpu.memory_space<vmem>>, vector<16xf32>,
    %scan3A = arith.constant 0 : i32
    %scan3A_991 = arith.constant 0 : i32
    %scan3A_992 = arith.constant 1600 : i32
    %scan3A_993 = arith.addi %scan3A_991, %scan3A_992 : i32
    %scan3A_994 = arith.constant 1 : i32
    scf.for %scan3A_996 = %scan3A_991 to %scan3A_993 step %scan3A_994  : i32 {
      %mul3A_997 = arith.constant 16 : i32
      %mul3A_998 = arith.muli %scan3A_996, %mul3A_997 : i32
      %get3A = arith.index_cast %mul3A_998 : i32 to index
      %get3A_999 = tpu.vector_load %arg7[%get3A] {strides = array<i32>} : memref<25600xi32, #tpu.memory_space<vmem>>, vector<16xi32>,
      %gather3A_1000 = tpu.vector_load_idx %arg6[%get3A_999] : memref<512xf32, #tpu.memory_space<vmem>>[vector<16xi32>], vector<16xf32>,
      %swap3A_1001 = arith.index_cast %mul3A_998 : i32 to index
      %swap3A_1002 = tpu.vector_load %arg8[%swap3A_1001] {strides = array<i32>} : memref<25600xf32, #tpu.memory_space<vmem>>, vector<16xf32>,
      tpu.vector_store %arg8[%swap3A_1001], %gather3A_1000 {strides = array<i32>} : memref<25600xf32, #tpu.memory_space<vmem>>, vector<16xf32>,
    }
    %scan3A_995 = arith.constant 1600 : i32
    "tpu.region"() ({
      %run_scoped3A = tpu.sem_alloc : memref<!tpu.dma_semaphore, #tpu.memory_space<semaphore_mem>>
      %dma_start3A = tpu.memref_slice %arg4[%mul3A_2] : memref<819200xf32, #tpu.memory_space<hbm>> -> memref<25600xf32, #tpu.memory_space<hbm>>
      %dma_start3A_996 = tpu.memref_slice %arg4[%mul3A_2] : memref<819200xf32, #tpu.memory_space<hbm>> -> memref<25600xf32, #tpu.memory_space<hbm>>
      tpu.enqueue_dma source(%arg8 : memref<25600xf32, #tpu.memory_space<vmem>>) target(%dma_start3A_996 : memref<25600xf32, #tpu.memory_space<hbm>>) target_semaphore(%run_scoped3A : memref<!tpu.dma_semaphore, #tpu.memory_space<semaphore_mem>>)
      %dma_wait3A = tpu.memref_slice %arg4[%mul3A_2] : memref<819200xf32, #tpu.memory_space<hbm>> -> memref<25600xf32, #tpu.memory_space<hbm>>
      %dma_wait3A_997 = tpu.memref_slice %arg4[%mul3A_2] : memref<819200xf32, #tpu.memory_space<hbm>> -> memref<25600xf32, #tpu.memory_space<hbm>>
      tpu.wait_dma2 semaphore(%run_scoped3A : memref<!tpu.dma_semaphore, #tpu.memory_space<semaphore_mem>>) src(%arg8 : memref<25600xf32, #tpu.memory_space<vmem>>) dst(%dma_wait3A_997 : memref<25600xf32, #tpu.memory_space<hbm>>)
      tpu.yield
    }) : () -> ()
    return
  }
}

module attributes {stable_mosaic.version = 14 : i64} {
  func.func @body(%arg0: i32, %arg1: memref<128x200xf32, #tpu.memory_space<vmem>>, %arg2: memref<128x200x64xf32, #tpu.memory_space<vmem>>, %arg3: memref<128x64xf32, #tpu.memory_space<vmem>>) attributes {dimension_semantics = [#tpu.dimension_semantics<arbitrary>], iteration_bounds = array<i64: 32>, scalar_prefetch = 0 : i64, scratch_operands = 0 : i64, tpu.core_type = #tpu.core_type<tc>, window_params = [{transform_indices = @transform_0, window_bounds = array<i64: 128, 200>}, {transform_indices = @transform_1, window_bounds = array<i64: 128, 200, 64>}, {transform_indices = @transform_2, window_bounds = array<i64: 128, 64>}]} {
    %get3A = arith.constant 0 : index
    %get3A_0 = arith.constant 0 : index
    %get3A_1 = vector.load %arg1[%get3A, %get3A_0] : memref<128x200xf32, #tpu.memory_space<vmem>>, vector<128x200xf32>
    %tanh3A = math.tanh %get3A_1 : vector<128x200xf32>
    %exp3A = math.exp %tanh3A : vector<128x200xf32>
    %reduce_sum3A = arith.constant dense<0.000000e+00> : vector<128xf32>
    %reduce_sum3A_2 = vector.multi_reduction <add>, %exp3A, %reduce_sum3A [1] : vector<128x200xf32> to vector<128xf32>
    %broadcast_in_dim3A = vector.shape_cast %reduce_sum3A_2 : vector<128xf32> to vector<128x1xf32>
    %add3A = arith.constant 1.000000e-07 : f32
    %add3A_3 = vector.broadcast %add3A : f32 to vector<128x1xf32>
    %add3A_4 = arith.addf %broadcast_in_dim3A, %add3A_3 : vector<128x1xf32>
    %get3A_5 = arith.constant 0 : index
    %get3A_6 = arith.constant 0 : index
    %get3A_7 = arith.constant 0 : index
    %get3A_8 = vector.load %arg2[%get3A_5, %get3A_6, %get3A_7] : memref<128x200x64xf32, #tpu.memory_space<vmem>>, vector<128x200x64xf32>
    %broadcast_in_dim3A_9 = vector.shape_cast %exp3A : vector<128x200xf32> to vector<128x200x1xf32>
    %mul3A = vector.broadcast %broadcast_in_dim3A_9 : vector<128x200x1xf32> to vector<128x200x64xf32>
    %mul3A_10 = arith.mulf %get3A_8, %mul3A : vector<128x200x64xf32>
    %reduce_sum3A_11 = arith.constant dense<0.000000e+00> : vector<128x64xf32>
    %reduce_sum3A_12 = vector.multi_reduction <add>, %mul3A_10, %reduce_sum3A_11 [1] : vector<128x200x64xf32> to vector<128x64xf32>
    %div3A = vector.broadcast %add3A_4 : vector<128x1xf32> to vector<128x64xf32>
    %div3A_13 = arith.divf %reduce_sum3A_12, %div3A : vector<128x64xf32>
    %swap3A = arith.constant 0 : index
    %swap3A_14 = arith.constant 0 : index
    %swap3A_15 = vector.load %arg3[%swap3A, %swap3A_14] : memref<128x64xf32, #tpu.memory_space<vmem>>, vector<128x64xf32>
    tpu.vector_store %arg3[%swap3A, %swap3A_14], %div3A_13 {strides = array<i32>} : memref<128x64xf32, #tpu.memory_space<vmem>>, vector<128x64xf32>,
    return
  }
  func.func @transform_0(%arg0: i32) -> (i32, i32) {
    %c0_i32 = arith.constant 0 : i32
    %c0_i32_0 = arith.constant 0 : i32
    return %arg0, %c0_i32 : i32, i32
  }
  func.func @transform_1(%arg0: i32) -> (i32, i32, i32) {
    %c0_i32 = arith.constant 0 : i32
    %c0_i32_0 = arith.constant 0 : i32
    %c0_i32_1 = arith.constant 0 : i32
    return %arg0, %c0_i32, %c0_i32_0 : i32, i32, i32
  }
  func.func @transform_2(%arg0: i32) -> (i32, i32) {
    %c0_i32 = arith.constant 0 : i32
    %c0_i32_0 = arith.constant 0 : i32
    return %arg0, %c0_i32 : i32, i32
  }
}

</mosaic_0001>

<sc_bundles>
// kernel: kernel.4.cloned.1.call-start
scs
__scs_entry_jumppad:
0x0: {  	(pc) =	sbr.rel $0x88, $3  }
0x1: {  	(tag) =	ssettag $0x0;
	lr =	simm.s32 $0x1  }
0x2: {  	[smem:$0x3F9E] =	sst lr;
	_ =	strace $0xD0000000  }
0x3: {  	_ = 	snop  }
0x4: {  	_ = 	snop  }
0x5: {  	_ = 	snop  }
0x6: {  	_ = 	snop  }
0x7: {  	_ = 	snop  }
__scs_overlays_trampoline_lowered:
0x8: {  	[smem:$0x3FAD] =	sst s0  }
0x9: {  	[smem:$0x3FAE] =	sst s1  }
0xa: {  	[smem:$0x3FAF] =	sst s2  }
0xb: {  	[smem:$0x3FB0] =	sst s3  }
0xc: {  	[smem:$0x3FB1] =	sst s4  }
0xd: {  	[smem:$0x3FB2] =	sst s5  }
0xe: {  	[smem:$0x3FB3] =	sst s6  }
0xf: {  	[smem:$0x3FB4] =	sst s7  }
0x10: {  	[smem:$0x3FB5] =	sst s8  }
0x11: {  	[smem:$0x3FB6] =	sst s9;
	s0 =	simm.s32 @!p0 $0x0  }
0x12: {  	s1 =	sld [smem:$0x3F9C];
	s0 =	simm.s32 @p0 $0x1  }
0x13: {  	[smem:$0x3FB7] =	sst s0;
	s0 =	simm.s32 @!p1 $0x0  }
0x14: {  	s2 =	sld [smem:$0x3F9B];
	s0 =	simm.s32 @p1 $0x1  }
0x15: {  	[smem:$0x3FB8] =	sst s0;
	s0 =	simm.s32 @!p2 $0x0  }
0x16: {  	s3 =	sld [smem:$0x3FDB];
	s0 =	simm.s32 @p2 $0x1  }
0x17: {  	s4 =	simm.s32 $0x1BF5;
	[smem:$0x3FBA] =	sst s0  }
0x18: {  	s0 =	sld [smem:$0x3F9D];
	_ =	swait.ge [sflag:s4], $0x0  }
0x19: {  	s7 =	sld [smem:$0x3F9E]  }
0x1a: {  	s8 =	sadd.s32 $0xFFFFE003, lr  }
0x1b: {  	s9 =	sadd.s32 $0xFFFFFEF7, lr;
	s5 =	simm.s32 $0xFFFFFFFF;
	p2 =	slt.u32 s8, $0xFFFFF086  }
0x1c: {  	p1 =	slt.u32 s9, $0xF7A;
	s5 =	simm.s32 @!p2 $0x0  }
0x1d: {  	s5 =	simm.s32 @p1 $0x1;
	p0 =	seq.s32 s7, s2  }
0x1e: {  	s7 =	smul.u32 @!p0 $0xF7A, s2;
	p2 =	seq.s32 @!p0 s5, $0x0  }
0x1f: {  	s9 =	smul.u32 $0xF7A, s1;
	s8 =	simm.s32 @!p0 $0x1BF5;
	p2 =	por !p2, p0  }
0x20: {  	[sflag:s8] =	ssyncset.s32 @!p0 $0xFFFFF086;
	s6 =	sadd.s32 @!p0 s3, s7;
	s7 =	simm.s32 @!p0 $0x108  }
0x21: {  	s3 =	sadd.s32 s3, s9;
	s6 =	sadd.s32 @!p0 $0x88, s6;
	s7 =	simm.s32 @p2 $0x1082  }
0x22: {  	[simem:s7], [sflag:s8] =	dma.local @!p0 [hbm:s6], $0xF7A  }
0x23: {  	s9 =	sor.u32 $0xD0000000, s2;
	s6 =	simm.s32 $0x108;
	_ =	swait.ge @!p0 [sflag:s8], $0x0  }
0x24: {  	s3 =	sadd.s32 $0x88, s3;
	s6 =	simm.s32 @!p1 $0x1082;
	[sflag:s4] =	ssyncset.s32 $0xFFFFF086  }
0x25: {  	[simem:s6], [sflag:s4] =	dma.local [hbm:s3], $0xF7A  }
0x26: {  	[smem:$0x3F9E] =	sst s1;
	(tag) =	ssettag s2;
	_ =	strace s9  }
0x27: {  	s1 =	sld [smem:$0x3FAE]  }
0x28: {  	s2 =	sld [smem:$0x3FAF]  }
0x29: {  	s4 =	sld [smem:$0x3FB1]  }
0x2a: {  	p0 =	seq.s32 s5, $0x0;
	s5 =	sld [smem:$0x3FB2]  }
0x2b: {  	s6 =	sld [smem:$0x3FB3]  }
0x2c: {  	s7 =	sld [smem:$0x3FB4]  }
0x2d: {  	s3 =	simm.s32 $0x108;
	s8 =	sld [smem:$0x3FB5]  }
0x2e: {  	s3 =	simm.s32 @!p0 $0x1082;
	s9 =	sld [smem:$0x3FB6]  }
0x2f: {  	lr =	sadd.s32 s0, s3;
	s0 =	sld [smem:$0x3FAD]  }
0x30: {  	s3 =	sld [smem:$0x3FB0]  }
0x31: {  	[smem:$0x3FB9] =	sst s10  }
0x32: {  	s10 =	sld [smem:$0x3FB7];
	_ =	sdelay $0x3  }
0x33: {  	p0 =	seq.s32 s10, $0x1;
	s10 =	sld [smem:$0x3FB9];
	_ =	sdelay $0x3  }
0x34: {  	[smem:$0x3FB9] =	sst s10  }
0x35: {  	s10 =	sld [smem:$0x3FB8];
	_ =	sdelay $0x3  }
0x36: {  	p1 =	seq.s32 s10, $0x1;
	s10 =	sld [smem:$0x3FB9];
	_ =	sdelay $0x3  }
0x37: {  	[smem:$0x3FB9] =	sst s10  }
0x38: {  	s10 =	sld [smem:$0x3FBA]  }
0x39: {  	_ = 	snop;
	(pc) =	sbr.ind lr, $3  }
0x3a: {  	_ = 	snop  }
0x3b: {  	_ = 	snop  }
0x3c: {  	p2 =	seq.s32 s10, $0x1;
	s10 =	sld [smem:$0x3FB9]  }
0x3d: {  	_ =	shalt  }
0x3e: {  	_ =	shalt  }
0x3f: {  	_ =	shalt  }
0x40: {  	_ =	shalt  }
0x41: {  	_ =	shalt  }
0x42: {  	_ =	shalt  }
0x43: {  	_ =	shalt  }
0x44: {  	_ =	shalt  }
0x45: {  	_ =	shalt  }
0x46: {  	_ =	shalt  }
0x47: {  	_ =	shalt  }
0x48: {  	_ =	shalt  }
0x49: {  	_ =	shalt  }
0x4a: {  	_ =	shalt  }
0x4b: {  	_ =	shalt  }
0x4c: {  	_ =	shalt  }
0x4d: {  	_ =	shalt  }
0x4e: {  	_ =	shalt  }
0x4f: {  	_ =	shalt  }
0x50: {  	_ =	shalt  }
0x51: {  	_ =	shalt  }
0x52: {  	_ =	shalt  }
0x53: {  	_ =	shalt  }
0x54: {  	_ =	shalt  }
0x55: {  	_ =	shalt  }
0x56: {  	_ =	shalt  }
0x57: {  	_ =	shalt  }
0x58: {  	_ =	shalt  }
0x59: {  	_ =	shalt  }
0x5a: {  	_ =	shalt  }
0x5b: {  	_ =	shalt  }
0x5c: {  	_ =	shalt  }
0x5d: {  	_ =	shalt  }
0x5e: {  	_ =	shalt  }
0x5f: {  	_ =	shalt  }
0x60: {  	_ =	shalt  }
0x61: {  	_ =	shalt  }
0x62: {  	_ =	shalt  }
0x63: {  	_ =	shalt  }
0x64: {  	_ =	shalt  }
0x65: {  	_ =	shalt  }
0x66: {  	_ =	shalt  }
0x67: {  	_ =	shalt  }
0x68: {  	_ =	shalt  }
0x69: {  	_ =	shalt  }
0x6a: {  	_ =	shalt  }
0x6b: {  	_ =	shalt  }
0x6c: {  	_ =	shalt  }
0x6d: {  	_ =	shalt  }
0x6e: {  	_ =	shalt  }
0x6f: {  	_ =	shalt  }
0x70: {  	_ =	shalt  }
0x71: {  	_ =	shalt  }
0x72: {  	_ =	shalt  }
0x73: {  	_ =	shalt  }
0x74: {  	_ =	shalt  }
0x75: {  	_ =	shalt  }
0x76: {  	_ =	shalt  }
0x77: {  	_ =	shalt  }
0x78: {  	_ =	shalt  }
0x79: {  	_ =	shalt  }
0x7a: {  	_ =	shalt  }
0x7b: {  	_ =	shalt  }
0x7c: {  	_ =	shalt  }
0x7d: {  	_ =	shalt  }
0x7e: {  	_ =	shalt  }
0x7f: {  	_ =	shalt  }
0x80: {  	_ =	shalt  }
0x81: {  	_ =	shalt  }
0x82: {  	_ =	shalt  }
0x83: {  	_ =	shalt  }
0x84: {  	_ =	shalt  }
0x85: {  	_ =	shalt  }
0x86: {  	_ =	shalt  }
0x87: {  	_ =	shalt  }
.Lfunc_end0:
.L_simem_size_0:
called_computation_lowered:
.L_overlay_start_0:
0x88: {  	s2 =	sld [smem:$0x3FD9]  }
0x89: {  	s3 =	sld [smem:$0x3FFE];
	_ =	sdelay $0x1  }
0x8a: {  	s1 =	srdreg.scid  }
0x8b: {  	s0 =	sand.u32 $0x1, s1  }
0x8c: {  	s17 =	sshll.u32 s0, $0xA;
	s2 =	sadd.s32 s3, s2  }
0x8d: {  	s2 =	sadd.s32 s2, s17  }
0x8e: {  	[smem:$0x3FC5] =	sst s2  }
0x8f: {  	_ = 	snop  }
0x90: {  	s2 =	sld [smem:$0x3FD0];
	(tm) =	ssettm $0x1  }
0x91: {  	s18 =	sld [smem:$0x3FFB];
	_ =	sdelay $0x3  }
0x92: {  	_ =	strace s18  }
0x93: {  	s3 =	sld [smem:$0x3FFC];
	_ =	sdelay $0x3  }
0x94: {  	_ =	strace s3  }
0x95: {  	s3 =	sld [smem:$0x3FFD];
	_ =	sdelay $0x3  }
0x96: {  	_ =	strace s3  }
0x97: {  	_ =	strace $0x8FFFFFFF  }
0x98: {  	s19 =	sld [smem:$0x3FDB];
	_ =	sdelay $0x1  }
0x99: {  	s4 =	simm.s32 $_scs_section_size  }
0x9a: {  	s5 =	simm.s32 $_size__tile_overlayer_lowered;
	s6 =	simm.s32 $_tile_overlayer_lowered  }
0x9b: {  	s22 =	simm.s32 $0x1BFF;
	s21 =	sshll.u32 s6, $0x1;
	s3 =	sadd.s32 s4, s19  }
0x9c: {  	s7 =	simm.s32 $0x0;
	s20 =	sshll.u32 s5, $0x1;
	s5 =	sadd.s32 s21, s3  }
0x9d: {  	[timem:s7], [sflag:s22] =	dma.local [hbm:s5], s20  }
0x9e: {  	_ =	swait.ge [sflag:s22], s20  }
0x9f: {  	s4 =	ssub.s32 $0x0, s20;
	[sflag:s22] =	ssyncset.done $0x0  }
0xa0: {  	[sflag:s22] =	ssyncadd.s32 s4;
	_ =	sdelay $0x1  }
0xa1: {  	s23 =	simm.s32 $0x1B8B  }
0xa2: {  	_ =	swait.ge [sflag:s23], $0x1  }
0xa3: {  	[sflag:s23] =	ssyncset.done $0x0  }
0xa4: {  	s25 =	simm.s32 $0x1B8E;
	s24 =	sld [smem:$0x3FFE];
	[sflag:s23] =	ssyncadd.s32 $0xFFFFFFFF  }
0xa5: {  	s26 =	simm.s32 $execute0_lowered;
	[smem:$0x3FD2] =	sst s25  }
0xa6: {  	s5 =	sshll.u32 s26, $0x1;
	_ =	strace $0x80000046;
	[dreg:$0x1] =	wrdreg $0xFFFFFFFF  }
0xa7: {  	s28 =	simm.s32 $_size_execute0_lowered;
	s3 =	sadd.s32 s3, s5;
	[dreg:$0x0] =	wrdreg $0x0  }
0xa8: {  	s5 =	sshll.u32 s28, $0x1;
	[dreg:$0x2] =	wrdreg s3  }
0xa9: {  	[dreg:$0x3] =	wrdreg s5  }
0xaa: {  	[dreg:$0x4] =	wrdreg $0xC0  }
0xab: {  	_ =	task [dreg:s7], $0x5FFFF  }
0xac: {  	[dreg:$0x1] =	wrdreg $0xFFFFFFFF  }
0xad: {  	[dreg:$0x0] =	wrdreg $0x60  }
0xae: {  	[dreg:$0x2] =	wrdreg s24  }
0xaf: {  	[dreg:$0x3] =	wrdreg s2  }
0xb0: {  	[dreg:$0x4] =	wrdreg $0x9  }
0xb1: {  	_ =	task.clear_ibuf [dreg:s7], $0x5FFFF;
	_ =	strace $0x90000046  }
0xb2: {  	s29 =	simm.s32 $0x9;
	_ =	strace $0x80000048  }
0xb3: {  	_ =	swait.ge [sflag:s29], $0x1  }
0xb4: {  	[sflag:s29] =	ssyncadd.s32 $0xFFFFFFFF  }
0xb5: {  	_ =	strace $0x90000048  }
0xb6: {  	_ =	sfence  }
0xb7: {  	s30 =	sld [smem:$0x0];
	_ =	sdelay $0x2  }
0xb8: {  	s31 =	sshll.u32 s1, $0xD;
	s1 =	sshrl.u32 s1, $0x2  }
0xb9: {  	s3 =	sand.u32 $0x4000, s31;
	s1 =	sadd.s32 s1, s30  }
0xba: {  	s0 =	sor.u32 s3, s0;
	s1 =	sshll.u32 s1, $0x11  }
0xbb: {  	s0 =	sor.u32 s1, s0  }
0xbc: {  	s0 =	sadd.s32 $0x8F2B, s0  }
0xbd: {  	[sflag:s0] =	ssyncadd.remote.s32 $0x1  }
0xbe: {  	_ =	sfence.sel $0xFFFF  }
0xbf: {  	[dreg:$0x0] =	wrdreg $0xFFFFFFFF;
	(pc) =	sbr.abs _section_cstart, $3  }
0xc0: {  	[dreg:$0x1] =	wrdreg $0xFFFFFFFF  }
0xc1: {  	_ =	task.clear_ibuf [dreg:s7], $0x2FFFF;
	_ =	strace $0x9FFFFFFF  }
0xc2: {  	(tm) =	ssettm $0x7FFFFFFF  }
0xc3: {  	_ =	shalt  }
tec
execute0_lowered:
.L_overlay_start_1:
0x0: {  	(tag) =	ssettag $0x1  }
0x1: {  	v0 =	vlaneseq.u32  }
0x2: {  	v0 =	vmul.u32 $0x4, v0;
	_ =	sdelay $0x1  }
0x3: {  	v1 =	vor.u32 $0x1, v0;
	v5 =	vor.u32 $0x41, v0;
	v6 =	vor.u32 $0x42, v0  }
0x4: {  	v7 =	vor.u32 $0x43, v0;
	v8 =	vor.u32 $0x80, v0;
	v9 =	vor.u32 $0x81, v0  }
0x5: {  	v10 =	vor.u32 $0x82, v0;
	v11 =	vor.u32 $0x83, v0;
	v12 =	vor.u32 $0xC0, v0  }
0x6: {  	v13 =	vor.u32 $0xC1, v0;
	v14 =	vor.u32 $0xC2, v0;
	v15 =	vor.u32 $0xC3, v0  }
0x7: {  	v16 =	vor.u32 $0x100, v0;
	v17 =	vor.u32 $0x101, v0;
	v18 =	vor.u32 $0x102, v0  }
0x8: {  	v19 =	vor.u32 $0x103, v0;
	v20 =	vor.u32 $0x140, v0;
	v21 =	vor.u32 $0x141, v0  }
0x9: {  	v22 =	vor.u32 $0x142, v0;
	v23 =	vor.u32 $0x143, v0;
	v24 =	vor.u32 $0x180, v0  }
0xa: {  	v25 =	vor.u32 $0x181, v0;
	v26 =	vor.u32 $0x182, v0;
	v27 =	vor.u32 $0x183, v0  }
0xb: {  	v28 =	vor.u32 $0x1C0, v0;
	v29 =	vor.u32 $0x1C1, v0;
	v30 =	vor.u32 $0x1C2, v0  }
0xc: {  	v31 =	vor.u32 $0x1C3, v0;
	v32 =	vor.u32 $0x200, v0;
	v33 =	vor.u32 $0x201, v0  }
0xd: {  	v34 =	vor.u32 $0x202, v0;
	v35 =	vor.u32 $0x203, v0;
	v36 =	vor.u32 $0x240, v0  }
0xe: {  	v37 =	vor.u32 $0x241, v0;
	v38 =	vor.u32 $0x242, v0;
	v39 =	vor.u32 $0x243, v0  }
0xf: {  	s1 =	srdreg.scid;
	v40 =	vor.u32 $0x280, v0;
	v41 =	vor.u32 $0x281, v0;
	v42 =	vor.u32 $0x282, v0  }
0x10: {  	s0 =	stileid.u32;
	s4 =	rddreg [dreg:$0x0];
	v43 =	vor.u32 $0x283, v0;
	v44 =	vor.u32 $0x2C0, v0;
	v45 =	vor.u32 $0x2C1, v0  }
0x11: {  	s2 =	rddreg [dreg:$0x1];
	s5 =	sand.u32 $0x1, s1;
	s30 =	sshll.u32 s0, $0x1;
	v46 =	vor.u32 $0x2C2, v0;
	v47 =	vor.u32 $0x2C3, v0;
	v48 =	vor.u32 $0x300, v0  }
0x12: {  	s3 =	simm.s32 $0x0;
	s8 =	simm.s32 $0xA00;
	s6 =	sor.u32 s5, s30;
	v49 =	vor.u32 $0x301, v0;
	v50 =	vor.u32 $0x302, v0;
	v51 =	vor.u32 $0x303, v0  }
0x13: {  	s9 =	simm.s32 $0x800;
	s10 =	simm.s32 $0x6E00;
	s6 =	smul.u32 $0xC80, s6;
	v52 =	vor.u32 $0x340, v0;
	v53 =	vor.u32 $0x341, v0;
	[tilespmem:$0x1FFC0] =	vst v1;
	v1 =	vor.u32 $0x2, v0  }
0x14: {  	s11 =	simm.s32 $0x0;
	s1 =	rddreg [dreg:$0x2];
	s5 =	ssub.s32 $0x2, s5;
	v54 =	vor.u32 $0x342, v0;
	v55 =	vor.u32 $0x343, v0;
	[tilespmem:$0x1FFD0] =	vst v1;
	v1 =	vor.u32 $0x3, v0  }
0x15: {  	[smem:$0x7FF] =	sst s3;
	s31 =	sshrl.u32 s5, $0x1;
	v56 =	vor.u32 $0x380, v0;
	v57 =	vor.u32 $0x381, v0;
	s6 =	sadd.s32 s6, s4;
	[tilespmem:$0x1FFE0] =	vst v1;
	v1 =	vor.u32 $0x40, v0  }
0x16: {  	v58 =	vor.u32 $0x382, v0;
	v59 =	vor.u32 $0x383, v0;
	v60 =	vor.u32 $0x3C0, v0;
	s7 =	ssub.s32 s5, s31;
	s4 =	sadd.s32 $0x400, s6;
	s5 =	sadd.s32 $0x19400, s6;
	[tilespmem:$0x1FFF0] =	vst v1  }
0x17: {  	v61 =	vor.u32 $0x3C1, v0;
	v62 =	vor.u32 $0x3C2, v0;
	v63 =	vor.u32 $0x3C3, v0;
	s6 =	smax.u32 s7, $0x1;
	s7 =	simm.s32 $0x1;
	_ =	strace $0x80000047  }
.LBB2_1:
0x18: {  	[tilespmem:s3], [sflag:$0x1] =	stream.linear.gather [hbm4b:s2+s3], $0x800, $0x38;
	[tilespmem:$0xD200] =	vst v63  }
0x19: {  	_ =	swait.ge [sflag:s7], $0x800  }
0x1a: {  	[sflag:s7] =	ssyncset.done $0x0  }
0x1b: {  	[sflag:s7] =	ssyncadd.s32 $0xFFFFF800  }
0x1c: {  	[tilespmem:s8], [sflag:$0x1] =	stream.linear.gather [hbm4b:s4+s3], $0x6400, $0x38;
	[tilespmem:$0xD200] =	vst v63  }
0x1d: {  	_ =	swait.ge [sflag:s7], $0x6400  }
0x1e: {  	v2 =	vld [tilespmem:$0x1FFC0];
	_ =	sdelay $0x1  }
0x1f: {  	v3 =	vld [tilespmem:$0x1FFD0];
	_ =	sdelay $0x1  }
0x20: {  	[sflag:s7] =	ssyncset.done $0x0;
	v4 =	vld [tilespmem:$0x1FFE0]  }
0x21: {  	[sflag:s7] =	ssyncadd.s32 $0xFFFF9C00  }
0x22: {  	v1 =	vld.idx.msk [tilespmem:v0+s3+$0x0], $0xffff;
	_ =	sdelay $0x1  }
0x23: {  	v2 =	vld.idx.msk [tilespmem:v2+s3+$0x0], $0xffff;
	_ =	sdelay $0x1  }
0x24: {  	v3 =	vld.idx.msk [tilespmem:v3+s3+$0x0], $0xffff  }
0x25: {  	v1 =	vadd.f32 $0.0e+00, v1  }
0x26: {  	v4 =	vld.idx.msk [tilespmem:v4+s3+$0x0], $0xffff  }
0x27: {  	v1 =	vadd.f32 v2, v1;
	_ =	sdelay $0x1  }
0x28: {  	v1 =	vadd.f32 v3, v1;
	_ =	sdelay $0x1  }
0x29: {  	v1 =	vadd.f32 v4, v1;
	_ =	sdelay $0x1  }
0x2a: {  	[tilespmem:$0x800] =	vst v1;
	v1 =	vld [tilespmem:$0x1FFF0];
	_ =	sdelay $0x7  }
0x2b: {  	v1 =	vld.idx.msk [tilespmem:v1+s3+$0x0], $0xffff;
	_ =	sdelay $0x1  }
0x2c: {  	v2 =	vld.idx.msk [tilespmem:v5+s3+$0x0], $0xffff;
	_ =	sdelay $0x1  }
0x2d: {  	v3 =	vld.idx.msk [tilespmem:v6+s3+$0x0], $0xffff  }
0x2e: {  	v1 =	vadd.f32 $0.0e+00, v1  }
0x2f: {  	v4 =	vld.idx.msk [tilespmem:v7+s3+$0x0], $0xffff  }
0x30: {  	v1 =	vadd.f32 v2, v1;
	_ =	sdelay $0x1  }
0x31: {  	v1 =	vadd.f32 v3, v1;
	_ =	sdelay $0x1  }
0x32: {  	v1 =	vadd.f32 v4, v1;
	_ =	sdelay $0x1  }
0x33: {  	[tilespmem:$0x810] =	vst v1  }
0x34: {  	v1 =	vld.idx.msk [tilespmem:v8+s3+$0x0], $0xffff;
	_ =	sdelay $0x1  }
0x35: {  	v2 =	vld.idx.msk [tilespmem:v9+s3+$0x0], $0xffff;
	_ =	sdelay $0x1  }
0x36: {  	v3 =	vld.idx.msk [tilespmem:v10+s3+$0x0], $0xffff  }
0x37: {  	v1 =	vadd.f32 $0.0e+00, v1  }
0x38: {  	v4 =	vld.idx.msk [tilespmem:v11+s3+$0x0], $0xffff  }
0x39: {  	v1 =	vadd.f32 v2, v1;
	_ =	sdelay $0x1  }
0x3a: {  	v1 =	vadd.f32 v3, v1;
	_ =	sdelay $0x1  }
0x3b: {  	v1 =	vadd.f32 v4, v1;
	_ =	sdelay $0x1  }
0x3c: {  	[tilespmem:$0x820] =	vst v1  }
0x3d: {  	v1 =	vld.idx.msk [tilespmem:v12+s3+$0x0], $0xffff;
	_ =	sdelay $0x1  }
0x3e: {  	v2 =	vld.idx.msk [tilespmem:v13+s3+$0x0], $0xffff;
	_ =	sdelay $0x1  }
0x3f: {  	v3 =	vld.idx.msk [tilespmem:v14+s3+$0x0], $0xffff  }
0x40: {  	v1 =	vadd.f32 $0.0e+00, v1  }
0x41: {  	v4 =	vld.idx.msk [tilespmem:v15+s3+$0x0], $0xffff  }
0x42: {  	v1 =	vadd.f32 v2, v1;
	_ =	sdelay $0x1  }
0x43: {  	v1 =	vadd.f32 v3, v1;
	_ =	sdelay $0x1  }
0x44: {  	v1 =	vadd.f32 v4, v1;
	_ =	sdelay $0x1  }
0x45: {  	[tilespmem:$0x830] =	vst v1  }
0x46: {  	v1 =	vld.idx.msk [tilespmem:v16+s3+$0x0], $0xffff;
	_ =	sdelay $0x1  }
0x47: {  	v2 =	vld.idx.msk [tilespmem:v17+s3+$0x0], $0xffff;
	_ =	sdelay $0x1  }
0x48: {  	v3 =	vld.idx.msk [tilespmem:v18+s3+$0x0], $0xffff  }
0x49: {  	v1 =	vadd.f32 $0.0e+00, v1  }
0x4a: {  	v4 =	vld.idx.msk [tilespmem:v19+s3+$0x0], $0xffff  }
0x4b: {  	v1 =	vadd.f32 v2, v1;
	_ =	sdelay $0x1  }
0x4c: {  	v1 =	vadd.f32 v3, v1;
	_ =	sdelay $0x1  }
0x4d: {  	v1 =	vadd.f32 v4, v1;
	_ =	sdelay $0x1  }
0x4e: {  	[tilespmem:$0x840] =	vst v1  }
0x4f: {  	v1 =	vld.idx.msk [tilespmem:v20+s3+$0x0], $0xffff;
	_ =	sdelay $0x1  }
0x50: {  	v2 =	vld.idx.msk [tilespmem:v21+s3+$0x0], $0xffff;
	_ =	sdelay $0x1  }
0x51: {  	v3 =	vld.idx.msk [tilespmem:v22+s3+$0x0], $0xffff  }
0x52: {  	v1 =	vadd.f32 $0.0e+00, v1  }
0x53: {  	v4 =	vld.idx.msk [tilespmem:v23+s3+$0x0], $0xffff  }
0x54: {  	v1 =	vadd.f32 v2, v1;
	_ =	sdelay $0x1  }
0x55: {  	v1 =	vadd.f32 v3, v1;
	_ =	sdelay $0x1  }
0x56: {  	v1 =	vadd.f32 v4, v1;
	_ =	sdelay $0x1  }
0x57: {  	[tilespmem:$0x850] =	vst v1  }
0x58: {  	v1 =	vld.idx.msk [tilespmem:v24+s3+$0x0], $0xffff;
	_ =	sdelay $0x1  }
0x59: {  	v2 =	vld.idx.msk [tilespmem:v25+s3+$0x0], $0xffff;
	_ =	sdelay $0x1  }
0x5a: {  	v3 =	vld.idx.msk [tilespmem:v26+s3+$0x0], $0xffff  }
0x5b: {  	v1 =	vadd.f32 $0.0e+00, v1  }
0x5c: {  	v4 =	vld.idx.msk [tilespmem:v27+s3+$0x0], $0xffff  }
0x5d: {  	v1 =	vadd.f32 v2, v1;
	_ =	sdelay $0x1  }
0x5e: {  	v1 =	vadd.f32 v3, v1;
	_ =	sdelay $0x1  }
0x5f: {  	v1 =	vadd.f32 v4, v1;
	_ =	sdelay $0x1  }
0x60: {  	[tilespmem:$0x860] =	vst v1  }
0x61: {  	v1 =	vld.idx.msk [tilespmem:v28+s3+$0x0], $0xffff;
	_ =	sdelay $0x1  }
0x62: {  	v2 =	vld.idx.msk [tilespmem:v29+s3+$0x0], $0xffff;
	_ =	sdelay $0x1  }
0x63: {  	v3 =	vld.idx.msk [tilespmem:v30+s3+$0x0], $0xffff  }
0x64: {  	v1 =	vadd.f32 $0.0e+00, v1  }
0x65: {  	v4 =	vld.idx.msk [tilespmem:v31+s3+$0x0], $0xffff  }
0x66: {  	v1 =	vadd.f32 v2, v1;
	_ =	sdelay $0x1  }
0x67: {  	v1 =	vadd.f32 v3, v1;
	_ =	sdelay $0x1  }
0x68: {  	v1 =	vadd.f32 v4, v1;
	_ =	sdelay $0x1  }
0x69: {  	[tilespmem:$0x870] =	vst v1  }
0x6a: {  	v1 =	vld.idx.msk [tilespmem:v32+s3+$0x0], $0xffff;
	_ =	sdelay $0x1  }
0x6b: {  	v2 =	vld.idx.msk [tilespmem:v33+s3+$0x0], $0xffff;
	_ =	sdelay $0x1  }
0x6c: {  	v3 =	vld.idx.msk [tilespmem:v34+s3+$0x0], $0xffff  }
0x6d: {  	v1 =	vadd.f32 $0.0e+00, v1  }
0x6e: {  	v4 =	vld.idx.msk [tilespmem:v35+s3+$0x0], $0xffff  }
0x6f: {  	v1 =	vadd.f32 v2, v1;
	_ =	sdelay $0x1  }
0x70: {  	v1 =	vadd.f32 v3, v1;
	_ =	sdelay $0x1  }
0x71: {  	v1 =	vadd.f32 v4, v1;
	_ =	sdelay $0x1  }
0x72: {  	[tilespmem:$0x880] =	vst v1  }
0x73: {  	v1 =	vld.idx.msk [tilespmem:v36+s3+$0x0], $0xffff;
	_ =	sdelay $0x1  }
0x74: {  	v2 =	vld.idx.msk [tilespmem:v37+s3+$0x0], $0xffff;
	_ =	sdelay $0x1  }
0x75: {  	v3 =	vld.idx.msk [tilespmem:v38+s3+$0x0], $0xffff  }
0x76: {  	v1 =	vadd.f32 $0.0e+00, v1  }
0x77: {  	v4 =	vld.idx.msk [tilespmem:v39+s3+$0x0], $0xffff  }
0x78: {  	v1 =	vadd.f32 v2, v1;
	_ =	sdelay $0x1  }
0x79: {  	v1 =	vadd.f32 v3, v1;
	_ =	sdelay $0x1  }
0x7a: {  	v1 =	vadd.f32 v4, v1;
	_ =	sdelay $0x1  }
0x7b: {  	[tilespmem:$0x890] =	vst v1  }
0x7c: {  	v1 =	vld.idx.msk [tilespmem:v40+s3+$0x0], $0xffff;
	_ =	sdelay $0x1  }
0x7d: {  	v2 =	vld.idx.msk [tilespmem:v41+s3+$0x0], $0xffff;
	_ =	sdelay $0x1  }
0x7e: {  	v3 =	vld.idx.msk [tilespmem:v42+s3+$0x0], $0xffff  }
0x7f: {  	v1 =	vadd.f32 $0.0e+00, v1  }
0x80: {  	v4 =	vld.idx.msk [tilespmem:v43+s3+$0x0], $0xffff  }
0x81: {  	v1 =	vadd.f32 v2, v1;
	_ =	sdelay $0x1  }
0x82: {  	v1 =	vadd.f32 v3, v1;
	_ =	sdelay $0x1  }
0x83: {  	v1 =	vadd.f32 v4, v1;
	_ =	sdelay $0x1  }
0x84: {  	[tilespmem:$0x8A0] =	vst v1  }
0x85: {  	v1 =	vld.idx.msk [tilespmem:v44+s3+$0x0], $0xffff;
	_ =	sdelay $0x1  }
0x86: {  	v2 =	vld.idx.msk [tilespmem:v45+s3+$0x0], $0xffff;
	_ =	sdelay $0x1  }
0x87: {  	v3 =	vld.idx.msk [tilespmem:v46+s3+$0x0], $0xffff  }
0x88: {  	v1 =	vadd.f32 $0.0e+00, v1  }
0x89: {  	v4 =	vld.idx.msk [tilespmem:v47+s3+$0x0], $0xffff  }
0x8a: {  	v1 =	vadd.f32 v2, v1;
	_ =	sdelay $0x1  }
0x8b: {  	v1 =	vadd.f32 v3, v1;
	_ =	sdelay $0x1  }
0x8c: {  	v1 =	vadd.f32 v4, v1;
	_ =	sdelay $0x1  }
0x8d: {  	[tilespmem:$0x8B0] =	vst v1  }
0x8e: {  	v1 =	vld.idx.msk [tilespmem:v48+s3+$0x0], $0xffff;
	_ =	sdelay $0x1  }
0x8f: {  	v2 =	vld.idx.msk [tilespmem:v49+s3+$0x0], $0xffff;
	_ =	sdelay $0x1  }
0x90: {  	v3 =	vld.idx.msk [tilespmem:v50+s3+$0x0], $0xffff  }
0x91: {  	v1 =	vadd.f32 $0.0e+00, v1  }
0x92: {  	v4 =	vld.idx.msk [tilespmem:v51+s3+$0x0], $0xffff  }
0x93: {  	v1 =	vadd.f32 v2, v1;
	_ =	sdelay $0x1  }
0x94: {  	v1 =	vadd.f32 v3, v1;
	_ =	sdelay $0x1  }
0x95: {  	v1 =	vadd.f32 v4, v1;
	_ =	sdelay $0x1  }
0x96: {  	[tilespmem:$0x8C0] =	vst v1  }
0x97: {  	v1 =	vld.idx.msk [tilespmem:v52+s3+$0x0], $0xffff;
	_ =	sdelay $0x1  }
0x98: {  	v2 =	vld.idx.msk [tilespmem:v53+s3+$0x0], $0xffff;
	_ =	sdelay $0x1  }
0x99: {  	v3 =	vld.idx.msk [tilespmem:v54+s3+$0x0], $0xffff  }
0x9a: {  	v1 =	vadd.f32 $0.0e+00, v1  }
0x9b: {  	v4 =	vld.idx.msk [tilespmem:v55+s3+$0x0], $0xffff  }
0x9c: {  	v1 =	vadd.f32 v2, v1;
	_ =	sdelay $0x1  }
0x9d: {  	v1 =	vadd.f32 v3, v1;
	_ =	sdelay $0x1  }
0x9e: {  	v1 =	vadd.f32 v4, v1;
	_ =	sdelay $0x1  }
0x9f: {  	[tilespmem:$0x8D0] =	vst v1  }
0xa0: {  	v1 =	vld.idx.msk [tilespmem:v56+s3+$0x0], $0xffff;
	_ =	sdelay $0x1  }
0xa1: {  	v2 =	vld.idx.msk [tilespmem:v57+s3+$0x0], $0xffff;
	_ =	sdelay $0x1  }
0xa2: {  	v3 =	vld.idx.msk [tilespmem:v58+s3+$0x0], $0xffff  }
0xa3: {  	v1 =	vadd.f32 $0.0e+00, v1  }
0xa4: {  	v4 =	vld.idx.msk [tilespmem:v59+s3+$0x0], $0xffff  }
0xa5: {  	v1 =	vadd.f32 v2, v1;
	_ =	sdelay $0x1  }
0xa6: {  	v1 =	vadd.f32 v3, v1;
	_ =	sdelay $0x1  }
0xa7: {  	v1 =	vadd.f32 v4, v1;
	_ =	sdelay $0x1  }
0xa8: {  	[tilespmem:$0x8E0] =	vst v1  }
0xa9: {  	v1 =	vld.idx.msk [tilespmem:v60+s3+$0x0], $0xffff;
	_ =	sdelay $0x1  }
0xaa: {  	v2 =	vld.idx.msk [tilespmem:v61+s3+$0x0], $0xffff;
	_ =	sdelay $0x1  }
0xab: {  	v3 =	vld.idx.msk [tilespmem:v62+s3+$0x0], $0xffff  }
0xac: {  	v1 =	vadd.f32 $0.0e+00, v1  }
0xad: {  	v4 =	vld.idx.msk [tilespmem:v63+s3+$0x0], $0xffff  }
0xae: {  	v1 =	vadd.f32 v2, v1;
	_ =	sdelay $0x1  }
0xaf: {  	v2 =	vor.u32 $0x400, v0;
	v1 =	vadd.f32 v3, v1;
	_ =	sdelay $0x1  }
0xb0: {  	v3 =	vor.u32 $0x401, v0;
	v1 =	vadd.f32 v4, v1;
	_ =	sdelay $0x1  }
0xb1: {  	[tilespmem:$0x8F0] =	vst v1;
	v1 =	vor.u32 $0x402, v0  }
0xb2: {  	v2 =	vld.idx.msk [tilespmem:v2+s3+$0x0], $0xffff  }
0xb3: {  	v4 =	vor.u32 $0x403, v0  }
0xb4: {  	v3 =	vld.idx.msk [tilespmem:v3+s3+$0x0], $0xffff;
	_ =	sdelay $0x1  }
0xb5: {  	v1 =	vld.idx.msk [tilespmem:v1+s3+$0x0], $0xffff  }
0xb6: {  	v2 =	vadd.f32 $0.0e+00, v2  }
0xb7: {  	v4 =	vld.idx.msk [tilespmem:v4+s3+$0x0], $0xffff  }
0xb8: {  	v2 =	vadd.f32 v3, v2;
	_ =	sdelay $0x1  }
0xb9: {  	v1 =	vadd.f32 v1, v2;
	v2 =	vor.u32 $0x440, v0;
	_ =	sdelay $0x1  }
0xba: {  	v3 =	vor.u32 $0x441, v0;
	v1 =	vadd.f32 v4, v1;
	_ =	sdelay $0x1  }
0xbb: {  	[tilespmem:$0x900] =	vst v1;
	v1 =	vor.u32 $0x442, v0  }
0xbc: {  	v2 =	vld.idx.msk [tilespmem:v2+s3+$0x0], $0xffff  }
0xbd: {  	v4 =	vor.u32 $0x443, v0  }
0xbe: {  	v3 =	vld.idx.msk [tilespmem:v3+s3+$0x0], $0xffff;
	_ =	sdelay $0x1  }
0xbf: {  	v1 =	vld.idx.msk [tilespmem:v1+s3+$0x0], $0xffff  }
0xc0: {  	v2 =	vadd.f32 $0.0e+00, v2  }
0xc1: {  	v4 =	vld.idx.msk [tilespmem:v4+s3+$0x0], $0xffff  }
0xc2: {  	v2 =	vadd.f32 v3, v2;
	_ =	sdelay $0x1  }
0xc3: {  	v1 =	vadd.f32 v1, v2;
	v2 =	vor.u32 $0x480, v0;
	_ =	sdelay $0x1  }
0xc4: {  	v3 =	vor.u32 $0x481, v0;
	v1 =	vadd.f32 v4, v1;
	_ =	sdelay $0x1  }
0xc5: {  	[tilespmem:$0x910] =	vst v1;
	v1 =	vor.u32 $0x482, v0  }
0xc6: {  	v2 =	vld.idx.msk [tilespmem:v2+s3+$0x0], $0xffff  }
0xc7: {  	v4 =	vor.u32 $0x483, v0  }
0xc8: {  	v3 =	vld.idx.msk [tilespmem:v3+s3+$0x0], $0xffff;
	_ =	sdelay $0x1  }
0xc9: {  	v1 =	vld.idx.msk [tilespmem:v1+s3+$0x0], $0xffff  }
0xca: {  	v2 =	vadd.f32 $0.0e+00, v2  }
0xcb: {  	v4 =	vld.idx.msk [tilespmem:v4+s3+$0x0], $0xffff  }
0xcc: {  	v2 =	vadd.f32 v3, v2;
	_ =	sdelay $0x1  }
0xcd: {  	v1 =	vadd.f32 v1, v2;
	v2 =	vor.u32 $0x4C0, v0;
	_ =	sdelay $0x1  }
0xce: {  	v3 =	vor.u32 $0x4C1, v0;
	v1 =	vadd.f32 v4, v1;
	_ =	sdelay $0x1  }
0xcf: {  	[tilespmem:$0x920] =	vst v1;
	v1 =	vor.u32 $0x4C2, v0  }
0xd0: {  	v2 =	vld.idx.msk [tilespmem:v2+s3+$0x0], $0xffff  }
0xd1: {  	v4 =	vor.u32 $0x4C3, v0  }
0xd2: {  	v3 =	vld.idx.msk [tilespmem:v3+s3+$0x0], $0xffff;
	_ =	sdelay $0x1  }
0xd3: {  	v1 =	vld.idx.msk [tilespmem:v1+s3+$0x0], $0xffff  }
0xd4: {  	v2 =	vadd.f32 $0.0e+00, v2  }
0xd5: {  	v4 =	vld.idx.msk [tilespmem:v4+s3+$0x0], $0xffff  }
0xd6: {  	v2 =	vadd.f32 v3, v2;
	_ =	sdelay $0x1  }
0xd7: {  	v1 =	vadd.f32 v1, v2;
	v2 =	vor.u32 $0x500, v0;
	_ =	sdelay $0x1  }
0xd8: {  	v3 =	vor.u32 $0x501, v0;
	v1 =	vadd.f32 v4, v1;
	_ =	sdelay $0x1  }
0xd9: {  	[tilespmem:$0x930] =	vst v1;
	v1 =	vor.u32 $0x502, v0  }
0xda: {  	v2 =	vld.idx.msk [tilespmem:v2+s3+$0x0], $0xffff  }
0xdb: {  	v4 =	vor.u32 $0x503, v0  }
0xdc: {  	v3 =	vld.idx.msk [tilespmem:v3+s3+$0x0], $0xffff;
	_ =	sdelay $0x1  }
0xdd: {  	v1 =	vld.idx.msk [tilespmem:v1+s3+$0x0], $0xffff  }
0xde: {  	v2 =	vadd.f32 $0.0e+00, v2  }
0xdf: {  	v4 =	vld.idx.msk [tilespmem:v4+s3+$0x0], $0xffff  }
0xe0: {  	v2 =	vadd.f32 v3, v2;
	_ =	sdelay $0x1  }
0xe1: {  	v1 =	vadd.f32 v1, v2;
	v2 =	vor.u32 $0x540, v0;
	_ =	sdelay $0x1  }
0xe2: {  	v3 =	vor.u32 $0x541, v0;
	v1 =	vadd.f32 v4, v1;
	_ =	sdelay $0x1  }
0xe3: {  	[tilespmem:$0x940] =	vst v1;
	v1 =	vor.u32 $0x542, v0  }
0xe4: {  	v2 =	vld.idx.msk [tilespmem:v2+s3+$0x0], $0xffff  }
0xe5: {  	v4 =	vor.u32 $0x543, v0  }
0xe6: {  	v3 =	vld.idx.msk [tilespmem:v3+s3+$0x0], $0xffff;
	_ =	sdelay $0x1  }
0xe7: {  	v1 =	vld.idx.msk [tilespmem:v1+s3+$0x0], $0xffff  }
0xe8: {  	v2 =	vadd.f32 $0.0e+00, v2  }
0xe9: {  	v4 =	vld.idx.msk [tilespmem:v4+s3+$0x0], $0xffff  }
0xea: {  	v2 =	vadd.f32 v3, v2;
	_ =	sdelay $0x1  }
0xeb: {  	v1 =	vadd.f32 v1, v2;
	v2 =	vor.u32 $0x580, v0;
	_ =	sdelay $0x1  }
0xec: {  	v3 =	vor.u32 $0x581, v0;
	v1 =	vadd.f32 v4, v1;
	_ =	sdelay $0x1  }
0xed: {  	[tilespmem:$0x950] =	vst v1;
	v1 =	vor.u32 $0x582, v0  }
0xee: {  	v2 =	vld.idx.msk [tilespmem:v2+s3+$0x0], $0xffff  }
0xef: {  	v4 =	vor.u32 $0x583, v0  }
0xf0: {  	v3 =	vld.idx.msk [tilespmem:v3+s3+$0x0], $0xffff;
	_ =	sdelay $0x1  }
0xf1: {  	v1 =	vld.idx.msk [tilespmem:v1+s3+$0x0], $0xffff  }
0xf2: {  	v2 =	vadd.f32 $0.0e+00, v2  }
0xf3: {  	v4 =	vld.idx.msk [tilespmem:v4+s3+$0x0], $0xffff  }
0xf4: {  	v2 =	vadd.f32 v3, v2;
	_ =	sdelay $0x1  }
0xf5: {  	v1 =	vadd.f32 v1, v2;
	v2 =	vor.u32 $0x5C0, v0;
	_ =	sdelay $0x1  }
0xf6: {  	v3 =	vor.u32 $0x5C1, v0;
	v1 =	vadd.f32 v4, v1;
	_ =	sdelay $0x1  }
0xf7: {  	[tilespmem:$0x960] =	vst v1;
	v1 =	vor.u32 $0x5C2, v0  }
0xf8: {  	v2 =	vld.idx.msk [tilespmem:v2+s3+$0x0], $0xffff  }
0xf9: {  	v4 =	vor.u32 $0x5C3, v0  }
0xfa: {  	v3 =	vld.idx.msk [tilespmem:v3+s3+$0x0], $0xffff;
	_ =	sdelay $0x1  }
0xfb: {  	v1 =	vld.idx.msk [tilespmem:v1+s3+$0x0], $0xffff  }
0xfc: {  	v2 =	vadd.f32 $0.0e+00, v2  }
0xfd: {  	v4 =	vld.idx.msk [tilespmem:v4+s3+$0x0], $0xffff  }
0xfe: {  	v2 =	vadd.f32 v3, v2;
	_ =	sdelay $0x1  }
0xff: {  	v1 =	vadd.f32 v1, v2;
	v2 =	vor.u32 $0x600, v0;
	_ =	sdelay $0x1  }
0x100: {  	v3 =	vor.u32 $0x601, v0;
	v1 =	vadd.f32 v4, v1;
	_ =	sdelay $0x1  }
0x101: {  	[tilespmem:$0x970] =	vst v1;
	v1 =	vor.u32 $0x602, v0  }
0x102: {  	v2 =	vld.idx.msk [tilespmem:v2+s3+$0x0], $0xffff  }
0x103: {  	v4 =	vor.u32 $0x603, v0  }
0x104: {  	v3 =	vld.idx.msk [tilespmem:v3+s3+$0x0], $0xffff;
	_ =	sdelay $0x1  }
0x105: {  	v1 =	vld.idx.msk [tilespmem:v1+s3+$0x0], $0xffff  }
0x106: {  	v2 =	vadd.f32 $0.0e+00, v2  }
0x107: {  	v4 =	vld.idx.msk [tilespmem:v4+s3+$0x0], $0xffff  }
0x108: {  	v2 =	vadd.f32 v3, v2;
	_ =	sdelay $0x1  }
0x109: {  	v1 =	vadd.f32 v1, v2;
	v2 =	vor.u32 $0x640, v0;
	_ =	sdelay $0x1  }
0x10a: {  	v3 =	vor.u32 $0x641, v0;
	v1 =	vadd.f32 v4, v1;
	_ =	sdelay $0x1  }
0x10b: {  	[tilespmem:$0x980] =	vst v1;
	v1 =	vor.u32 $0x642, v0  }
0x10c: {  	v2 =	vld.idx.msk [tilespmem:v2+s3+$0x0], $0xffff  }
0x10d: {  	v4 =	vor.u32 $0x643, v0  }
0x10e: {  	v3 =	vld.idx.msk [tilespmem:v3+s3+$0x0], $0xffff;
	_ =	sdelay $0x1  }
0x10f: {  	v1 =	vld.idx.msk [tilespmem:v1+s3+$0x0], $0xffff  }
0x110: {  	v2 =	vadd.f32 $0.0e+00, v2  }
0x111: {  	v4 =	vld.idx.msk [tilespmem:v4+s3+$0x0], $0xffff  }
0x112: {  	v2 =	vadd.f32 v3, v2;
	_ =	sdelay $0x1  }
0x113: {  	v1 =	vadd.f32 v1, v2;
	v2 =	vor.u32 $0x680, v0;
	_ =	sdelay $0x1  }
0x114: {  	v3 =	vor.u32 $0x681, v0;
	v1 =	vadd.f32 v4, v1;
	_ =	sdelay $0x1  }
0x115: {  	[tilespmem:$0x990] =	vst v1;
	v1 =	vor.u32 $0x682, v0  }
0x116: {  	v2 =	vld.idx.msk [tilespmem:v2+s3+$0x0], $0xffff  }
0x117: {  	v4 =	vor.u32 $0x683, v0  }
0x118: {  	v3 =	vld.idx.msk [tilespmem:v3+s3+$0x0], $0xffff;
	_ =	sdelay $0x1  }
0x119: {  	v1 =	vld.idx.msk [tilespmem:v1+s3+$0x0], $0xffff  }
0x11a: {  	v2 =	vadd.f32 $0.0e+00, v2  }
0x11b: {  	v4 =	vld.idx.msk [tilespmem:v4+s3+$0x0], $0xffff  }
0x11c: {  	v2 =	vadd.f32 v3, v2;
	_ =	sdelay $0x1  }
0x11d: {  	v1 =	vadd.f32 v1, v2;
	v2 =	vor.u32 $0x6C0, v0;
	_ =	sdelay $0x1  }
0x11e: {  	v3 =	vor.u32 $0x6C1, v0;
	v1 =	vadd.f32 v4, v1;
	_ =	sdelay $0x1  }
0x11f: {  	[tilespmem:$0x9A0] =	vst v1;
	v1 =	vor.u32 $0x6C2, v0  }
0x120: {  	v2 =	vld.idx.msk [tilespmem:v2+s3+$0x0], $0xffff  }
0x121: {  	v4 =	vor.u32 $0x6C3, v0  }
0x122: {  	v3 =	vld.idx.msk [tilespmem:v3+s3+$0x0], $0xffff;
	_ =	sdelay $0x1  }
0x123: {  	v1 =	vld.idx.msk [tilespmem:v1+s3+$0x0], $0xffff  }
0x124: {  	v2 =	vadd.f32 $0.0e+00, v2  }
0x125: {  	v4 =	vld.idx.msk [tilespmem:v4+s3+$0x0], $0xffff  }
0x126: {  	v2 =	vadd.f32 v3, v2;
	_ =	sdelay $0x1  }
0x127: {  	v1 =	vadd.f32 v1, v2;
	v2 =	vor.u32 $0x700, v0;
	_ =	sdelay $0x1  }
0x128: {  	v3 =	vor.u32 $0x701, v0;
	v1 =	vadd.f32 v4, v1;
	_ =	sdelay $0x1  }
0x129: {  	[tilespmem:$0x9B0] =	vst v1;
	v1 =	vor.u32 $0x702, v0  }
0x12a: {  	v2 =	vld.idx.msk [tilespmem:v2+s3+$0x0], $0xffff  }
0x12b: {  	v4 =	vor.u32 $0x703, v0  }
0x12c: {  	v3 =	vld.idx.msk [tilespmem:v3+s3+$0x0], $0xffff;
	_ =	sdelay $0x1  }
0x12d: {  	v1 =	vld.idx.msk [tilespmem:v1+s3+$0x0], $0xffff  }
0x12e: {  	v2 =	vadd.f32 $0.0e+00, v2  }
0x12f: {  	v4 =	vld.idx.msk [tilespmem:v4+s3+$0x0], $0xffff  }
0x130: {  	v2 =	vadd.f32 v3, v2;
	_ =	sdelay $0x1  }
0x131: {  	v1 =	vadd.f32 v1, v2;
	v2 =	vor.u32 $0x740, v0;
	_ =	sdelay $0x1  }
0x132: {  	v3 =	vor.u32 $0x741, v0;
	v1 =	vadd.f32 v4, v1;
	_ =	sdelay $0x1  }
0x133: {  	[tilespmem:$0x9C0] =	vst v1;
	v1 =	vor.u32 $0x742, v0  }
0x134: {  	v2 =	vld.idx.msk [tilespmem:v2+s3+$0x0], $0xffff  }
0x135: {  	v4 =	vor.u32 $0x743, v0  }
0x136: {  	v3 =	vld.idx.msk [tilespmem:v3+s3+$0x0], $0xffff;
	_ =	sdelay $0x1  }
0x137: {  	v1 =	vld.idx.msk [tilespmem:v1+s3+$0x0], $0xffff  }
0x138: {  	v2 =	vadd.f32 $0.0e+00, v2  }
0x139: {  	v4 =	vld.idx.msk [tilespmem:v4+s3+$0x0], $0xffff  }
0x13a: {  	v2 =	vadd.f32 v3, v2;
	_ =	sdelay $0x1  }
0x13b: {  	v1 =	vadd.f32 v1, v2;
	v2 =	vor.u32 $0x780, v0;
	_ =	sdelay $0x1  }
0x13c: {  	v3 =	vor.u32 $0x781, v0;
	v1 =	vadd.f32 v4, v1;
	_ =	sdelay $0x1  }
0x13d: {  	[tilespmem:$0x9D0] =	vst v1;
	v1 =	vor.u32 $0x782, v0  }
0x13e: {  	v2 =	vld.idx.msk [tilespmem:v2+s3+$0x0], $0xffff  }
0x13f: {  	v4 =	vor.u32 $0x783, v0  }
0x140: {  	v3 =	vld.idx.msk [tilespmem:v3+s3+$0x0], $0xffff;
	_ =	sdelay $0x1  }
0x141: {  	v1 =	vld.idx.msk [tilespmem:v1+s3+$0x0], $0xffff  }
0x142: {  	v2 =	vadd.f32 $0.0e+00, v2  }
0x143: {  	v4 =	vld.idx.msk [tilespmem:v4+s3+$0x0], $0xffff  }
0x144: {  	v2 =	vadd.f32 v3, v2;
	_ =	sdelay $0x1  }
0x145: {  	v1 =	vadd.f32 v1, v2;
	v2 =	vor.u32 $0x7C0, v0;
	_ =	sdelay $0x1  }
0x146: {  	v3 =	vor.u32 $0x7C1, v0;
	v1 =	vadd.f32 v4, v1;
	_ =	sdelay $0x1  }
0x147: {  	[tilespmem:$0x9E0] =	vst v1;
	v1 =	vor.u32 $0x7C2, v0  }
0x148: {  	v2 =	vld.idx.msk [tilespmem:v2+s3+$0x0], $0xffff  }
0x149: {  	v4 =	vor.u32 $0x7C3, v0  }
0x14a: {  	v3 =	vld.idx.msk [tilespmem:v3+s3+$0x0], $0xffff;
	_ =	sdelay $0x1  }
0x14b: {  	v1 =	vld.idx.msk [tilespmem:v1+s3+$0x0], $0xffff  }
0x14c: {  	v2 =	vadd.f32 $0.0e+00, v2  }
0x14d: {  	v4 =	vld.idx.msk [tilespmem:v4+s3+$0x0], $0xffff  }
0x14e: {  	v2 =	vadd.f32 v3, v2;
	_ =	sdelay $0x1  }
0x14f: {  	v1 =	vadd.f32 v1, v2;
	_ =	sdelay $0x1  }
0x150: {  	v1 =	vadd.f32 v4, v1;
	_ =	sdelay $0x1  }
0x151: {  	s12 =	simm.s32 $0x0;
	[tilespmem:$0x9F0] =	vst v1  }
0x152: {  	v1 =	vld [tilespmem:s12+$0xA00];
	_ =	sdelay $0x7  }
0x153: {  	s13 =	simm.s32 $0x10;
	s14 =	simm.s32 $0x80;
	v1 =	vld.idx.msk [tilespmem:v1+s9+$0x0], $0xffff  }
.LBB2_2:
0x154: {  	p0 =	sne.s32 s14, $0x18FC0;
	v2 =	vld [tilespmem:s13+$0xA00];
	_ =	sdelay $0x3  }
.Ltmp0:
0x155: {  	(pc) =	sbr.rel @p0 .LBB2_2-.Ltmp0, $2  }
0x156: {  	[tilespmem:s12+$0x6E00] =	vst v1;
	s12 =	smov.u32 s13;
	_ =	sdelay $0x2  }
0x157: {  	s13 =	sshra.s32 s14, $0x2;
	s14 =	sadd.s32 $0x40, s14;
	v1 =	vld.idx.msk [tilespmem:v2+s9+$0x0], $0xffff  }
0x158: {  	v2 =	vld [tilespmem:s13+$0xA00];
	_ =	sdelay $0x6  }
0x159: {  	[tilespmem:s12+$0x6E00] =	vst v1  }
0x15a: {  	v1 =	vld.idx.msk [tilespmem:v2+s9+$0x0], $0xffff;
	_ =	sdelay $0x2  }
0x15b: {  	s11 =	sadd.s32 $0x1, s11  }
0x15c: {  	p0 =	sne.s32 s11, s6  }
.Ltmp1:
0x15d: {  	[tilespmem:s13+$0x6E00] =	vst v1;
	(pc) =	sbr.rel @p0 .LBB2_1-.Ltmp1, $4  }
0x15e: {  	[hbm4b:s5+s3] =	stream.linear.scatter [tilespmem:s10], [sflag:$0x1], $0x6400, $0x38;
	[tilespmem:$0xD200] =	vst v63  }
0x15f: {  	_ =	swait.ge [sflag:s7], $0x6400  }
0x160: {  	[sflag:s7] =	ssyncset.done $0x0  }
0x161: {  	[sflag:s7] =	ssyncadd.s32 $0xFFFF9C00  }
0x162: {  	_ =	sfence.sel $0x180000  }
0x163: {  	[bflag:$0x0] =	sbarrier.arrive $0xFFFF  }
0x164: {  	p0 =	sne.s32 s0, $0x0;
	_ =	strace $0x90000047  }
0x165: {  	s0 =	sadd.s32 @!p0 $0x100000, s1;
	[bflag:$0x2] =	sbarrier.arrive $0xFFFF  }
0x166: {  	[sflag:s0] =	ssyncadd.tile.s32 @!p0 $0x1;
	_ =	shalt  }
.Lfunc_end2:
_tile_overlayer_lowered:
.L_overlay_start_2:
0x167: {  	(tag) =	ssettag $0x2  }
0x168: {  	s0 =	rddreg [dreg:$0x0];
	s2 =	stileid.u32  }
0x169: {  	s1 =	rddreg [dreg:$0x1];
	p0 =	sne.s32 s2, $0x0  }
0x16a: {  	s3 =	rddreg [dreg:$0x2];
	[bflag:$0x3] =	sbarrier.arrive $0xFFFF;
	s2 =	simm.s32 @!p0 $0x1C01  }
0x16b: {  	[timem:s3], [sflag:s2] =	dma.local @!p0 [hbm:s0], s1  }
0x16c: {  	s0 =	simm.s32 @!p0 $0x1  }
0x16d: {  	_ =	swait.ge @!p0 [sflag:s0], s1  }
0x16e: {  	s1 =	ssub.s32 @!p0 $0x0, s1;
	[sflag:s0] =	ssyncset.done @!p0 $0x0  }
0x16f: {  	[sflag:s0] =	ssyncadd.s32 @!p0 s1  }
0x170: {  	[bflag:$0x3] =	sbarrier.arrive $0xFFFF  }
0x171: {  	_ =	shalt  }

</sc_bundles>
